<compile_context>
chip_gen: v7x
topology: tpu7x:2x2x1
jax: 0.10.2.dev20260603
libtpu: 0.0.44.dev20260713+nightly
codegen_flags: <defaults>
</compile_context>

<pallas_src>
import functools

import jax
import jax.numpy as jnp
from jax import lax
from jax.experimental import pallas as pl
from jax.experimental.pallas import tpu as pltpu
from jax.experimental.pallas import tpu_sc as plsc

NUM_SAMPLES = 100000
NUM_FEATURES = 64
NUM_CLASSES = 1000
B = 64
TEMP = 0.05

NC = 2
NS = 16
NW = NC * NS
CPAD = 1024
RB = 8
NQ = 4
LQ = 2048
NFULL = (NUM_SAMPLES // LQ) // 8 * 8
SLOTS = NFULL // NQ
TAIL_BASE = NFULL * LQ
TAIL_LEN = (NUM_SAMPLES - TAIL_BASE) // 128 * 128
TAIL_GROUPS = TAIL_LEN // 16
assert NUM_SAMPLES - TAIL_BASE - TAIL_LEN == 32
TAIL2_BASE = TAIL_BASE + TAIL_LEN
TAIL2_LEN = NUM_SAMPLES - TAIL2_BASE
GROUPS = LQ // 16
NG = NUM_SAMPLES // 16
CG_BASE = NG // NW
CG_EXTRA = NG - CG_BASE * NW
CG_WIN = CG_BASE + 1
OUT_ROWS = 128


def _sc_body(featT_hbm, tailT_hbm, lab_hbm, idx_hbm,
             psum_hbm, tgt_hbm,
             lab0, fv0, lab1, fv1,
             clab, acc, hist, idxv, tgtv,
             ft32, lt32,
             sem0, sem1, gsem, tsem):
    c = lax.axis_index("c")
    s = lax.axis_index("s")
    wid = c * NS + s
    r_blk = wid // NQ
    q = wid % NQ
    row0 = pl.multiple_of(RB * r_blk, RB)

    zero16 = jnp.zeros((16,), jnp.float32)
    one16 = jnp.ones((16,), jnp.float32)
    zero16i = jnp.zeros((16,), jnp.int32)
    rvecs = [jnp.full((16,), r, jnp.int32) for r in range(RB)]

    def fire(slot, labv, fv, sem):
        base = pl.multiple_of((q + NQ * slot) * LQ, LQ)
        pltpu.async_copy(lab_hbm.at[pl.ds(base, LQ)], labv, sem)
        pltpu.async_copy(
            featT_hbm.at[pl.ds(row0, RB), pl.ds(base, LQ)], fv, sem)

    def drain(labv, fv, sem):
        pltpu.make_async_copy(lab_hbm.at[pl.ds(0, LQ)], labv, sem).wait()
        pltpu.make_async_copy(
            featT_hbm.at[pl.ds(0, RB), pl.ds(0, LQ)], fv, sem).wait()

    def process(labv, fv, n_groups, unroll=4):
        @functools.partial(plsc.parallel_loop, 0, n_groups, unroll=unroll)
        def _body(g):
            sl = pl.ds(g * 16, 16)
            lab16 = labv[sl]
            for r in range(RB):
                plsc.addupdate_scatter(acc, [rvecs[r], lab16], fv[r, sl])

    bufs = ((lab0, fv0, sem0), (lab1, fv1, sem1))
    fire(0, *bufs[0])
    fire(1, *bufs[1])

    g0 = CG_BASE * wid + jnp.minimum(wid, CG_EXTRA)
    g1 = CG_BASE * (wid + 1) + jnp.minimum(wid + 1, CG_EXTRA)
    sw = jnp.minimum(g0, NG - CG_WIN)
    pltpu.async_copy(lab_hbm.at[pl.ds(sw * 16, CG_WIN * 16)], clab, gsem)

    @pl.when(jnp.logical_and(c == 0, s == 0))
    def _tgt():
        pltpu.sync_copy(idx_hbm, idxv)
        pltpu.async_copy(lab_hbm.at[idxv], tgtv, tsem).wait()
        pltpu.sync_copy(tgtv, tgt_hbm)

    def zbody(i, carry):
        for r in range(RB):
            acc[r, pl.ds(i * 16, 16)] = zero16
        hist[0, pl.ds(i * 16, 16)] = zero16
        return carry

    lax.fori_loop(0, CPAD // 16, zbody, 0)

    def outer(o, carry):
        for b in range(2):
            slot = 2 * o + b
            labv, fv, sem = bufs[b]
            drain(labv, fv, sem)
            process(labv, fv, GROUPS)

            @pl.when(slot + 2 < SLOTS)
            def _():
                fire(slot + 2, labv, fv, sem)
        return carry

    lax.fori_loop(0, SLOTS // 2, outer, 0)

    @pl.when(q == NQ - 1)
    def _tail():
        labv, fv, sem = bufs[0]
        pltpu.async_copy(lab_hbm.at[pl.ds(TAIL_BASE, TAIL_LEN)],
                         labv.at[pl.ds(0, TAIL_LEN)], sem)
        pltpu.async_copy(
            featT_hbm.at[pl.ds(row0, RB), pl.ds(TAIL_BASE, TAIL_LEN)],
            fv.at[:, pl.ds(0, TAIL_LEN)], sem)
        pltpu.make_async_copy(lab_hbm.at[pl.ds(0, TAIL_LEN)],
                              labv.at[pl.ds(0, TAIL_LEN)], sem).wait()
        pltpu.make_async_copy(
            featT_hbm.at[pl.ds(0, RB), pl.ds(0, TAIL_LEN)],
            fv.at[:, pl.ds(0, TAIL_LEN)], sem).wait()
        process(labv, fv, TAIL_GROUPS)

    @pl.when(q == 0)
    def _tail2():
        pltpu.sync_copy(lab_hbm.at[pl.ds(TAIL2_BASE, TAIL2_LEN)], lt32)
        pltpu.sync_copy(tailT_hbm.at[pl.ds(row0, RB), :], ft32)
        process(lt32, ft32, TAIL2_LEN // 16, unroll=1)

    pltpu.make_async_copy(
        lab_hbm.at[pl.ds(0, CG_WIN * 16)], clab, gsem).wait()

    @functools.partial(plsc.parallel_loop, 0, CG_WIN, unroll=4)
    def _cbody(j):
        gg = sw + j
        ok = jnp.logical_and(gg >= g0, gg < g1)
        m16 = jnp.broadcast_to(ok, (16,))
        lab16 = clab[pl.ds(j * 16, 16)]
        plsc.addupdate_scatter(hist, [zero16i, lab16], one16, mask=m16)

    pltpu.sync_copy(acc, psum_hbm.at[q, pl.ds(row0, RB), :])
    hrow0 = pl.multiple_of(NUM_FEATURES + RB * r_blk, RB)
    pltpu.sync_copy(hist, psum_hbm.at[q, pl.ds(hrow0, RB), :])


@functools.cache
def _make_sc_segment_sums():
  return pl.kernel(
    _sc_body,
    out_type=(
        jax.ShapeDtypeStruct((NQ, OUT_ROWS, CPAD), jnp.float32),
        jax.ShapeDtypeStruct((B,), jnp.int32),
    ),
    mesh=plsc.VectorSubcoreMesh(core_axis_name="c", subcore_axis_name="s"),
    compiler_params=pltpu.CompilerParams(needs_layout_passes=False,
                                         skip_device_barrier=True),
    scratch_types=[
        pltpu.VMEM((LQ,), jnp.int32),
        pltpu.VMEM((RB, LQ), jnp.float32),
        pltpu.VMEM((LQ,), jnp.int32),
        pltpu.VMEM((RB, LQ), jnp.float32),
        pltpu.VMEM((CG_WIN * 16,), jnp.int32),
        pltpu.VMEM((RB, CPAD), jnp.float32),
        pltpu.VMEM((RB, CPAD), jnp.float32),
        pltpu.VMEM((B,), jnp.int32),
        pltpu.VMEM((B,), jnp.int32),
        pltpu.VMEM((RB, TAIL2_LEN), jnp.float32),
        pltpu.VMEM((TAIL2_LEN,), jnp.int32),
        pltpu.SemaphoreType.DMA,
        pltpu.SemaphoreType.DMA,
        pltpu.SemaphoreType.DMA,
        pltpu.SemaphoreType.DMA,
    ],
  )


def _tc_body(psum_ref, inputs_ref, another_ref, tgt_ref, out_ref):
    psum = (psum_ref[0] + psum_ref[1]) + (psum_ref[2] + psum_ref[3])
    n = psum[NUM_FEATURES:NUM_FEATURES + 1, :]
    for r in range(1, RB):
        n = n + psum[NUM_FEATURES + RB * r:NUM_FEATURES + RB * r + 1, :]
    mask = (n > 0.0).astype(jnp.float32)
    mdT = psum[0:NUM_FEATURES, :] / (mask * n + (1.0 - mask))

    sim = lax.dot_general(
        inputs_ref[...], mdT, (((1,), (0,)), ((), ())),
        preferred_element_type=jnp.float32,
        precision=lax.Precision.HIGHEST) * (1.0 / TEMP)

    e = jnp.exp(sim) * mask
    denom = jnp.sum(e, axis=1, keepdims=True) + 1e-6
    cls = lax.broadcasted_iota(jnp.int32, (B, CPAD), 1)
    onehot = (cls == tgt_ref[...]).astype(jnp.float32)
    p = jnp.sum(e * onehot, axis=1, keepdims=True) / denom
    floss = jnp.sum(-((1.0 - p) ** 4) * jnp.log(p + 1e-6)) / B

    inp = lax.dot_general(
        onehot, mdT, (((1,), (1,)), ((), ())),
        preferred_element_type=jnp.float32,
        precision=lax.Precision.HIGHEST)
    inp = inp / jnp.sqrt(jnp.sum(inp * inp, axis=1, keepdims=True))
    another = another_ref[...]
    another = another / jnp.sqrt(jnp.sum(another * another, axis=1, keepdims=True))
    cml = -jnp.sum(inp * another) / B

    ninp = inputs_ref[...]
    ninp = ninp / jnp.sqrt(jnp.sum(ninp * ninp, axis=1, keepdims=True))
    cl = -jnp.sum(ninp * another) / B

    full = floss + cml + cl
    lane = lax.broadcasted_iota(jnp.int32, (1, 128), 1)
    out_ref[...] = (jnp.where(lane == 0, floss, 0.0)
                    + jnp.where(lane == 1, full, 0.0))


_tc_epilogue = pl.pallas_call(
    _tc_body,
    out_shape=jax.ShapeDtypeStruct((1, 128), jnp.float32),
)


def kernel(inputs, inputs_mask, another_inputs_full, indexes, back,
           features, labels, label_weight, label_count):
    del inputs_mask, label_weight, label_count
    featT = jnp.transpose(features)
    psum, tgt = _make_sc_segment_sums()(
        featT, lax.slice(featT, (0, TAIL2_BASE), (NUM_FEATURES, NUM_SAMPLES)),
        labels.astype(jnp.int32), indexes.astype(jnp.int32))
    out = _tc_epilogue(psum, inputs, another_inputs_full, tgt.reshape(B, 1))
    floss = out[0, 0]
    full_loss = out[0, 1]
    return jnp.where(back == 0, floss, full_loss)

# --- scband reference (transcript-rebuilt; emitter-appended) ---
"""Pipeline reference for scband-mask-hybrid-memory-81621558493655 (READ-ONLY COPY).

The authoritative reference and input builder live on the scoring server;
editing this copy changes nothing except your own understanding.
"""

import jax, jax.numpy as jnp
import numpy as np

NUM_SAMPLES = 100000
NUM_FEATURES = 64
NUM_CLASSES = 1000
B = 64
TEMP = 0.05


def masked_softmax(vec, mask, eps=1e-06):
    exps = jnp.exp(vec)
    masked_exps = exps * mask.astype(jnp.float32)
    masked_sums = jnp.sum(masked_exps, axis=1, keepdims=True) + eps
    return masked_exps / masked_sums


def _class_mean(cols, labels, num_classes):
    # cols: [num_samples, B] ; per-class mean over rows grouped by labels
    sim = jax.ops.segment_sum(cols, labels, num_segments=num_classes)
    nums = jax.ops.segment_sum(jnp.ones((cols.shape[0], 1), jnp.float32), labels, num_segments=num_classes)
    mask = (nums > 0).astype(jnp.float32)
    sim = sim / (mask * nums + (1.0 - mask))
    return sim, jnp.broadcast_to(mask, sim.shape)


def focal_loss(targets, sim, mask):
    masked_sim = masked_softmax(jnp.transpose(sim), jnp.transpose(mask))
    onehot = jax.nn.one_hot(targets, masked_sim.shape[1], dtype=jnp.float32)
    focal_p = onehot * masked_sim
    focal_p_all = jnp.power(onehot - focal_p, 4)
    outs = jnp.log(masked_sim + 1e-06)
    loss = -(focal_p_all * outs)
    return jnp.mean(jnp.sum(loss, axis=1))


def contrasloss(inputs, another_inputs):
    inputs = jax.lax.stop_gradient(inputs)
    inputs = inputs / jnp.linalg.norm(inputs, axis=1, keepdims=True)
    another = another_inputs / jnp.linalg.norm(another_inputs, axis=1, keepdims=True)
    return -1.0 * jnp.mean(jnp.sum(inputs * another, axis=1))


def contrasmemotyloss(targets, another_inputs, features, labels):
    feat = jax.lax.stop_gradient(features)
    md = jax.ops.segment_sum(feat, labels, num_segments=NUM_CLASSES)
    nums = jax.ops.segment_sum(jnp.ones((feat.shape[0], 1), jnp.float32), labels, num_segments=NUM_CLASSES)
    mask = (nums > 0).astype(jnp.float32)
    md = md / (mask * nums + (1.0 - mask))
    inp = jax.lax.stop_gradient(md[targets])
    inp = inp / jnp.linalg.norm(inp, axis=1, keepdims=True)
    another = another_inputs / jnp.linalg.norm(another_inputs, axis=1, keepdims=True)
    return -1.0 * jnp.mean(jnp.sum(inp * another, axis=1))


def setup_inputs(seed: int = 0):
    key = jax.random.key(seed)
    ks = jax.random.split(key, 8)
    inputs = jax.random.normal(ks[0], (B, NUM_FEATURES), dtype=jnp.float32)
    inputs_mask = jax.random.normal(ks[1], (B, NUM_FEATURES), dtype=jnp.float32)
    another_inputs_full = jax.random.normal(ks[2], (B, NUM_FEATURES), dtype=jnp.float32)
    indexes = jax.random.randint(ks[3], (B,), 0, NUM_SAMPLES)
    features = jax.random.normal(ks[4], (NUM_SAMPLES, NUM_FEATURES), dtype=jnp.float32)
    features = features / (jnp.linalg.norm(features, axis=1, keepdims=True) + 1e-12)
    labels = jax.random.randint(ks[5], (NUM_SAMPLES,), 0, NUM_CLASSES)
    label_weight = jnp.ones((NUM_SAMPLES,), dtype=jnp.float32)
    label_count = jax.random.randint(ks[6], (NUM_SAMPLES,), 0, 100)
    return {"inputs": inputs, "inputs_mask": inputs_mask, "another_inputs_full": another_inputs_full,
            "indexes": indexes, "back": 1, "features": features, "labels": labels,
            "label_weight": label_weight, "label_count": label_count}


def reference(inputs, inputs_mask, another_inputs_full, indexes, back, features, labels, label_weight, label_count):
    targets = labels[indexes]
    weight = label_weight[indexes]
    m = inputs.shape[0]
    t_exp = jnp.broadcast_to(targets[None, :], (m, m))
    label_inter = (t_exp == jnp.transpose(t_exp)).astype(jnp.float32)
    label_intra = 1.0 - label_inter
    old_inputs = inputs
    # HM.forward: similarities against the (non-differentiable) memory bank
    feat_c = jax.lax.stop_gradient(features)
    out = (inputs @ jnp.transpose(feat_c)) / TEMP
    out_mask = (inputs_mask @ jnp.transpose(feat_c)) / TEMP
    sim, maskc = _class_mean(jnp.transpose(out), labels, NUM_CLASSES)
    masked_sim = masked_softmax(jnp.transpose(sim), jnp.transpose(maskc))
    lc = label_count[indexes]
    sim_mask, maskc_m = _class_mean(jnp.transpose(out_mask), labels, NUM_CLASSES)
    masked_sim_mask = masked_softmax(jnp.transpose(sim_mask), jnp.transpose(maskc_m))
    floss = focal_loss(targets, sim, maskc)
    full_loss = floss + contrasmemotyloss(targets, another_inputs_full, features, labels) + contrasloss(jax.lax.stop_gradient(old_inputs), another_inputs_full)
    return jnp.where(back == 0, floss, full_loss)

if __name__ == "__main__":
    import jax
    _d = setup_inputs()
    print(jax.jit(kernel)(*tuple(_d.values())))

</pallas_src>

<mosaic_0001>
#map = affine_map<(d0, d1) -> (0, 0)>
#map1 = affine_map<(d0, d1) -> (0)>
#map2 = affine_map<(d0, d1) -> (0, 0, 0)>
module attributes {stable_mosaic.version = 14 : i64} {
  func.func @_sc_body(%arg0: i32, %arg1: i32, %arg2: memref<64x100000xf32, #tpu.memory_space<hbm>>, %arg3: memref<64x32xf32, #tpu.memory_space<hbm>>, %arg4: memref<100000xi32, #tpu.memory_space<hbm>>, %arg5: memref<64xi32, #tpu.memory_space<hbm>>, %arg6: memref<4x128x1024xf32, #tpu.memory_space<hbm>>, %arg7: memref<64xi32, #tpu.memory_space<hbm>>, %arg8: memref<2048xi32, #tpu.memory_space<vmem>>, %arg9: memref<8x2048xf32, #tpu.memory_space<vmem>>, %arg10: memref<2048xi32, #tpu.memory_space<vmem>>, %arg11: memref<8x2048xf32, #tpu.memory_space<vmem>>, %arg12: memref<3136xi32, #tpu.memory_space<vmem>>, %arg13: memref<8x1024xf32, #tpu.memory_space<vmem>>, %arg14: memref<8x1024xf32, #tpu.memory_space<vmem>>, %arg15: memref<64xi32, #tpu.memory_space<vmem>>, %arg16: memref<64xi32, #tpu.memory_space<vmem>>, %arg17: memref<8x32xf32, #tpu.memory_space<vmem>>, %arg18: memref<32xi32, #tpu.memory_space<vmem>>, %arg19: memref<!tpu.dma_semaphore, #tpu.memory_space<semaphore_mem>>, %arg20: memref<!tpu.dma_semaphore, #tpu.memory_space<semaphore_mem>>, %arg21: memref<!tpu.dma_semaphore, #tpu.memory_space<semaphore_mem>>, %arg22: memref<!tpu.dma_semaphore, #tpu.memory_space<semaphore_mem>>) attributes {dimension_semantics = [#tpu.dimension_semantics<core_parallel>, #tpu.dimension_semantics<subcore_parallel>], iteration_bounds = array<i64: 2, 16>, scalar_prefetch = 0 : i64, scratch_operands = 15 : i64, tpu.core_type = #tpu.core_type<sc_vector_subcore>, window_params = [{transform_indices = #map}, {transform_indices = #map}, {transform_indices = #map1}, {transform_indices = #map1}, {transform_indices = #map2}, {transform_indices = #map1}]} {
    %mul3A = arith.constant 16 : i32
    %mul3A_0 = arith.muli %arg0, %mul3A : i32
    %add3A = arith.addi %mul3A_0, %arg1 : i32
    %jit3A = arith.constant 4 : i32
    %div3A = arith.divsi %add3A, %jit3A : i32
    %sign3A = arith.constant 0 : i32
    %sign3A_1 = arith.cmpi sgt, %add3A, %sign3A : i32
    %sign3A_2 = arith.extui %sign3A_1 : i1 to i32
    %sign3A_3 = arith.constant 0 : i32
    %sign3A_4 = arith.cmpi slt, %add3A, %sign3A_3 : i32
    %sign3A_5 = arith.extui %sign3A_4 : i1 to i32
    %sign3A_6 = arith.subi %sign3A_2, %sign3A_5 : i32
    %sign3A_7 = arith.constant 0 : i32
    %sign3A_8 = arith.cmpi sgt, %jit3A, %sign3A_7 : i32
    %sign3A_9 = arith.extui %sign3A_8 : i1 to i32
    %sign3A_10 = arith.constant 0 : i32
    %sign3A_11 = arith.cmpi slt, %jit3A, %sign3A_10 : i32
    %sign3A_12 = arith.extui %sign3A_11 : i1 to i32
    %sign3A_13 = arith.subi %sign3A_9, %sign3A_12 : i32
    %ne3A = arith.cmpi ne, %sign3A_6, %sign3A_13 : i32
    %rem3A = arith.remsi %add3A, %jit3A : i32
    %ne3A_14 = arith.constant 0 : i32
    %ne3A_15 = arith.cmpi ne, %rem3A, %ne3A_14 : i32
    %and3A = arith.andi %ne3A, %ne3A_15 : i1
    %sub3A = arith.constant 1 : i32
    %sub3A_16 = arith.subi %div3A, %sub3A : i32
    %select_n3A = arith.select %and3A, %sub3A_16, %div3A : i32
    %jit3A_17 = arith.constant 4 : i32
    %eq3A = arith.constant 0 : i32
    %eq3A_18 = arith.cmpi eq, %jit3A_17, %eq3A : i32
    %jit3A_19 = arith.constant 1 : i32
    %select_n3A_20 = arith.select %eq3A_18, %jit3A_19, %jit3A_17 : i32
    %rem3A_21 = arith.remsi %add3A, %select_n3A_20 : i32
    %ne3A_22 = arith.constant 0 : i32
    %ne3A_23 = arith.cmpi ne, %rem3A_21, %ne3A_22 : i32
    %lt3A = arith.constant 0 : i32
    %lt3A_24 = arith.cmpi slt, %rem3A_21, %lt3A : i32
    %lt3A_25 = arith.constant 0 : i32
    %lt3A_26 = arith.cmpi slt, %select_n3A_20, %lt3A_25 : i32
    %ne3A_27 = arith.xori %lt3A_24, %lt3A_26 : i1
    %and3A_28 = arith.andi %ne3A_27, %ne3A_23 : i1
    %add3A_29 = arith.addi %rem3A_21, %select_n3A_20 : i32
    %select_n3A_30 = arith.select %and3A_28, %add3A_29, %rem3A_21 : i32
    %mul3A_31 = arith.constant 8 : i32
    %mul3A_32 = arith.muli %mul3A_31, %select_n3A : i32
    %multiple_of3A = tpu.assume_multiple %mul3A_32, 8 : i32
    %broadcast_in_dim3A = arith.constant 0.000000e+00 : f32
    %broadcast_in_dim3A_33 = vector.broadcast %broadcast_in_dim3A : f32 to vector<16xf32>
    %broadcast_in_dim3A_34 = arith.constant 1.000000e+00 : f32
    %broadcast_in_dim3A_35 = vector.broadcast %broadcast_in_dim3A_34 : f32 to vector<16xf32>
    %broadcast_in_dim3A_36 = arith.constant 0 : i32
    %broadcast_in_dim3A_37 = vector.broadcast %broadcast_in_dim3A_36 : i32 to vector<16xi32>
    %broadcast_in_dim3A_38 = arith.constant 0 : i32
    %broadcast_in_dim3A_39 = vector.broadcast %broadcast_in_dim3A_38 : i32 to vector<16xi32>
    %broadcast_in_dim3A_40 = arith.constant 1 : i32
    %broadcast_in_dim3A_41 = vector.broadcast %broadcast_in_dim3A_40 : i32 to vector<16xi32>
    %broadcast_in_dim3A_42 = arith.constant 2 : i32
    %broadcast_in_dim3A_43 = vector.broadcast %broadcast_in_dim3A_42 : i32 to vector<16xi32>
    %broadcast_in_dim3A_44 = arith.constant 3 : i32
    %broadcast_in_dim3A_45 = vector.broadcast %broadcast_in_dim3A_44 : i32 to vector<16xi32>
    %broadcast_in_dim3A_46 = arith.constant 4 : i32
    %broadcast_in_dim3A_47 = vector.broadcast %broadcast_in_dim3A_46 : i32 to vector<16xi32>
    %broadcast_in_dim3A_48 = arith.constant 5 : i32
    %broadcast_in_dim3A_49 = vector.broadcast %broadcast_in_dim3A_48 : i32 to vector<16xi32>
    %broadcast_in_dim3A_50 = arith.constant 6 : i32
    %broadcast_in_dim3A_51 = vector.broadcast %broadcast_in_dim3A_50 : i32 to vector<16xi32>
    %broadcast_in_dim3A_52 = arith.constant 7 : i32
    %broadcast_in_dim3A_53 = vector.broadcast %broadcast_in_dim3A_52 : i32 to vector<16xi32>
    %add3A_54 = arith.constant 0 : i32
    %add3A_55 = arith.addi %select_n3A_30, %add3A_54 : i32
    %mul3A_56 = arith.constant 2048 : i32
    %mul3A_57 = arith.muli %add3A_55, %mul3A_56 : i32
    %multiple_of3A_58 = tpu.assume_multiple %mul3A_57, 2048 : i32
    %dma_start3A = tpu.memref_slice %arg4[%multiple_of3A_58] : memref<100000xi32, #tpu.memory_space<hbm>> -> memref<2048xi32, #tpu.memory_space<hbm>>
    %dma_start3A_59 = tpu.memref_slice %arg4[%multiple_of3A_58] : memref<100000xi32, #tpu.memory_space<hbm>> -> memref<2048xi32, #tpu.memory_space<hbm>>
    tpu.enqueue_dma source(%dma_start3A_59 : memref<2048xi32, #tpu.memory_space<hbm>>) target(%arg8 : memref<2048xi32, #tpu.memory_space<vmem>>) target_semaphore(%arg19 : memref<!tpu.dma_semaphore, #tpu.memory_space<semaphore_mem>>)
    %dma_start3A_60 = tpu.memref_slice %arg2[%multiple_of3A, %multiple_of3A_58] : memref<64x100000xf32, #tpu.memory_space<hbm>> -> memref<8x2048xf32, #tpu.memory_space<hbm>>
    %dma_start3A_61 = tpu.memref_slice %arg2[%multiple_of3A, %multiple_of3A_58] : memref<64x100000xf32, #tpu.memory_space<hbm>> -> memref<8x2048xf32, #tpu.memory_space<hbm>>
    tpu.enqueue_dma source(%dma_start3A_61 : memref<8x2048xf32, #tpu.memory_space<hbm>>) target(%arg9 : memref<8x2048xf32, #tpu.memory_space<vmem>>) target_semaphore(%arg19 : memref<!tpu.dma_semaphore, #tpu.memory_space<semaphore_mem>>)
    %add3A_62 = arith.constant 4 : i32
    %add3A_63 = arith.addi %select_n3A_30, %add3A_62 : i32
    %mul3A_64 = arith.constant 2048 : i32
    %mul3A_65 = arith.muli %add3A_63, %mul3A_64 : i32
    %multiple_of3A_66 = tpu.assume_multiple %mul3A_65, 2048 : i32
    %dma_start3A_67 = tpu.memref_slice %arg4[%multiple_of3A_66] : memref<100000xi32, #tpu.memory_space<hbm>> -> memref<2048xi32, #tpu.memory_space<hbm>>
    %dma_start3A_68 = tpu.memref_slice %arg4[%multiple_of3A_66] : memref<100000xi32, #tpu.memory_space<hbm>> -> memref<2048xi32, #tpu.memory_space<hbm>>
    tpu.enqueue_dma source(%dma_start3A_68 : memref<2048xi32, #tpu.memory_space<hbm>>) target(%arg10 : memref<2048xi32, #tpu.memory_space<vmem>>) target_semaphore(%arg20 : memref<!tpu.dma_semaphore, #tpu.memory_space<semaphore_mem>>)
    %dma_start3A_69 = tpu.memref_slice %arg2[%multiple_of3A, %multiple_of3A_66] : memref<64x100000xf32, #tpu.memory_space<hbm>> -> memref<8x2048xf32, #tpu.memory_space<hbm>>
    %dma_start3A_70 = tpu.memref_slice %arg2[%multiple_of3A, %multiple_of3A_66] : memref<64x100000xf32, #tpu.memory_space<hbm>> -> memref<8x2048xf32, #tpu.memory_space<hbm>>
    tpu.enqueue_dma source(%dma_start3A_70 : memref<8x2048xf32, #tpu.memory_space<hbm>>) target(%arg11 : memref<8x2048xf32, #tpu.memory_space<vmem>>) target_semaphore(%arg20 : memref<!tpu.dma_semaphore, #tpu.memory_space<semaphore_mem>>)
    %mul3A_71 = arith.constant 195 : i32
    %mul3A_72 = arith.muli %mul3A_71, %add3A : i32
    %min3A = arith.constant 10 : i32
    %min3A_73 = arith.minsi %add3A, %min3A : i32
    %add3A_74 = arith.addi %mul3A_72, %min3A_73 : i32
    %add3A_75 = arith.constant 1 : i32
    %add3A_76 = arith.addi %add3A, %add3A_75 : i32
    %mul3A_77 = arith.constant 195 : i32
    %mul3A_78 = arith.muli %mul3A_77, %add3A_76 : i32
    %add3A_79 = arith.constant 1 : i32
    %add3A_80 = arith.addi %add3A, %add3A_79 : i32
    %min3A_81 = arith.constant 10 : i32
    %min3A_82 = arith.minsi %add3A_80, %min3A_81 : i32
    %add3A_83 = arith.addi %mul3A_78, %min3A_82 : i32
    %min3A_84 = arith.constant 6054 : i32
    %min3A_85 = arith.minsi %add3A_74, %min3A_84 : i32
    %mul3A_86 = arith.constant 16 : i32
    %mul3A_87 = arith.muli %min3A_85, %mul3A_86 : i32
    %dma_start3A_88 = tpu.memref_slice %arg4[%mul3A_87] : memref<100000xi32, #tpu.memory_space<hbm>> -> memref<3136xi32, #tpu.memory_space<hbm>>
    %dma_start3A_89 = tpu.memref_slice %arg4[%mul3A_87] : memref<100000xi32, #tpu.memory_space<hbm>> -> memref<3136xi32, #tpu.memory_space<hbm>>
    tpu.enqueue_dma source(%dma_start3A_89 : memref<3136xi32, #tpu.memory_space<hbm>>) target(%arg12 : memref<3136xi32, #tpu.memory_space<vmem>>) target_semaphore(%arg21 : memref<!tpu.dma_semaphore, #tpu.memory_space<semaphore_mem>>)
    %eq3A_90 = arith.constant 0 : i32
    %eq3A_91 = arith.cmpi eq, %arg0, %eq3A_90 : i32
    %eq3A_92 = arith.constant 0 : i32
    %eq3A_93 = arith.cmpi eq, %arg1, %eq3A_92 : i32
    %and3A_94 = arith.andi %eq3A_91, %eq3A_93 : i1
    %convert_element_type3A = arith.extui %and3A_94 : i1 to i32
    %cond3A = arith.constant 0 : i32
    %cond3A_95 = arith.cmpi ne, %convert_element_type3A, %cond3A : i32
    scf.if %cond3A_95 {
      "tpu.region"() ({
        %run_scoped3A = tpu.sem_alloc : memref<!tpu.dma_semaphore, #tpu.memory_space<semaphore_mem>>
        tpu.enqueue_dma source(%arg5 : memref<64xi32, #tpu.memory_space<hbm>>) target(%arg15 : memref<64xi32, #tpu.memory_space<vmem>>) target_semaphore(%run_scoped3A : memref<!tpu.dma_semaphore, #tpu.memory_space<semaphore_mem>>)
        tpu.wait_dma2 semaphore(%run_scoped3A : memref<!tpu.dma_semaphore, #tpu.memory_space<semaphore_mem>>) src(%arg5 : memref<64xi32, #tpu.memory_space<hbm>>) dst(%arg15 : memref<64xi32, #tpu.memory_space<vmem>>)
        tpu.yield
      }) : () -> ()
      %dma_start3A_125 = arith.constant 0 : i32
      %dma_start3A_126 = tpu.memref_slice %arg4[%dma_start3A_125] : memref<100000xi32, #tpu.memory_space<hbm>> -> memref<100000xi32, #tpu.memory_space<hbm>>
      tpu.enqueue_indirect_dma source(%dma_start3A_126 : memref<100000xi32, #tpu.memory_space<hbm>>) target(%arg16 : memref<64xi32, #tpu.memory_space<vmem>>) offsets(%arg15 : memref<64xi32, #tpu.memory_space<vmem>>) semaphore(%arg22 : memref<!tpu.dma_semaphore, #tpu.memory_space<semaphore_mem>>)
      %dma_wait3A_127 = arith.constant 0 : i32
      %dma_wait3A_128 = tpu.memref_slice %arg4[%dma_wait3A_127] : memref<100000xi32, #tpu.memory_space<hbm>> -> memref<100000xi32, #tpu.memory_space<hbm>>
      tpu.wait_indirect_dma semaphore(%arg22 : memref<!tpu.dma_semaphore, #tpu.memory_space<semaphore_mem>>) src(%dma_wait3A_128 : memref<100000xi32, #tpu.memory_space<hbm>>) dst(%arg16 : memref<64xi32, #tpu.memory_space<vmem>>)
      "tpu.region"() ({
        %run_scoped3A = tpu.sem_alloc : memref<!tpu.dma_semaphore, #tpu.memory_space<semaphore_mem>>
        tpu.enqueue_dma source(%arg16 : memref<64xi32, #tpu.memory_space<vmem>>) target(%arg7 : memref<64xi32, #tpu.memory_space<hbm>>) target_semaphore(%run_scoped3A : memref<!tpu.dma_semaphore, #tpu.memory_space<semaphore_mem>>)
        tpu.wait_dma2 semaphore(%run_scoped3A : memref<!tpu.dma_semaphore, #tpu.memory_space<semaphore_mem>>) src(%arg16 : memref<64xi32, #tpu.memory_space<vmem>>) dst(%arg7 : memref<64xi32, #tpu.memory_space<hbm>>)
        tpu.yield
      }) : () -> ()
    } else {
    }
    %scan3A = arith.constant 0 : i32
    %scan3A_96 = arith.constant 0 : i32
    %scan3A_97 = arith.constant 64 : i32
    %scan3A_98 = arith.addi %scan3A_96, %scan3A_97 : i32
    %scan3A_99 = arith.constant 1 : i32
    scf.for %scan3A_125 = %scan3A_96 to %scan3A_98 step %scan3A_99  : i32 {
      %mul3A_126 = arith.constant 16 : i32
      %mul3A_127 = arith.muli %scan3A_125, %mul3A_126 : i32
      %swap3A = arith.constant 0 : i32
      %swap3A_128 = arith.index_cast %swap3A : i32 to index
      %swap3A_129 = arith.index_cast %mul3A_127 : i32 to index
      %swap3A_130 = tpu.vector_load %arg13[%swap3A_128, %swap3A_129] {strides = array<i32>} : memref<8x1024xf32, #tpu.memory_space<vmem>>, vector<16xf32>,
      tpu.vector_store %arg13[%swap3A_128, %swap3A_129], %broadcast_in_dim3A_33 {strides = array<i32>} : memref<8x1024xf32, #tpu.memory_space<vmem>>, vector<16xf32>,
      %mul3A_131 = arith.constant 16 : i32
      %mul3A_132 = arith.muli %scan3A_125, %mul3A_131 : i32
      %swap3A_133 = arith.constant 1 : i32
      %swap3A_134 = arith.index_cast %swap3A_133 : i32 to index
      %swap3A_135 = arith.index_cast %mul3A_132 : i32 to index
      %swap3A_136 = tpu.vector_load %arg13[%swap3A_134, %swap3A_135] {strides = array<i32>} : memref<8x1024xf32, #tpu.memory_space<vmem>>, vector<16xf32>,
      tpu.vector_store %arg13[%swap3A_134, %swap3A_135], %broadcast_in_dim3A_33 {strides = array<i32>} : memref<8x1024xf32, #tpu.memory_space<vmem>>, vector<16xf32>,
      %mul3A_137 = arith.constant 16 : i32
      %mul3A_138 = arith.muli %scan3A_125, %mul3A_137 : i32
      %swap3A_139 = arith.constant 2 : i32
      %swap3A_140 = arith.index_cast %swap3A_139 : i32 to index
      %swap3A_141 = arith.index_cast %mul3A_138 : i32 to index
      %swap3A_142 = tpu.vector_load %arg13[%swap3A_140, %swap3A_141] {strides = array<i32>} : memref<8x1024xf32, #tpu.memory_space<vmem>>, vector<16xf32>,
      tpu.vector_store %arg13[%swap3A_140, %swap3A_141], %broadcast_in_dim3A_33 {strides = array<i32>} : memref<8x1024xf32, #tpu.memory_space<vmem>>, vector<16xf32>,
      %mul3A_143 = arith.constant 16 : i32
      %mul3A_144 = arith.muli %scan3A_125, %mul3A_143 : i32
      %swap3A_145 = arith.constant 3 : i32
      %swap3A_146 = arith.index_cast %swap3A_145 : i32 to index
      %swap3A_147 = arith.index_cast %mul3A_144 : i32 to index
      %swap3A_148 = tpu.vector_load %arg13[%swap3A_146, %swap3A_147] {strides = array<i32>} : memref<8x1024xf32, #tpu.memory_space<vmem>>, vector<16xf32>,
      tpu.vector_store %arg13[%swap3A_146, %swap3A_147], %broadcast_in_dim3A_33 {strides = array<i32>} : memref<8x1024xf32, #tpu.memory_space<vmem>>, vector<16xf32>,
      %mul3A_149 = arith.constant 16 : i32
      %mul3A_150 = arith.muli %scan3A_125, %mul3A_149 : i32
      %swap3A_151 = arith.constant 4 : i32
      %swap3A_152 = arith.index_cast %swap3A_151 : i32 to index
      %swap3A_153 = arith.index_cast %mul3A_150 : i32 to index
      %swap3A_154 = tpu.vector_load %arg13[%swap3A_152, %swap3A_153] {strides = array<i32>} : memref<8x1024xf32, #tpu.memory_space<vmem>>, vector<16xf32>,
      tpu.vector_store %arg13[%swap3A_152, %swap3A_153], %broadcast_in_dim3A_33 {strides = array<i32>} : memref<8x1024xf32, #tpu.memory_space<vmem>>, vector<16xf32>,
      %mul3A_155 = arith.constant 16 : i32
      %mul3A_156 = arith.muli %scan3A_125, %mul3A_155 : i32
      %swap3A_157 = arith.constant 5 : i32
      %swap3A_158 = arith.index_cast %swap3A_157 : i32 to index
      %swap3A_159 = arith.index_cast %mul3A_156 : i32 to index
      %swap3A_160 = tpu.vector_load %arg13[%swap3A_158, %swap3A_159] {strides = array<i32>} : memref<8x1024xf32, #tpu.memory_space<vmem>>, vector<16xf32>,
      tpu.vector_store %arg13[%swap3A_158, %swap3A_159], %broadcast_in_dim3A_33 {strides = array<i32>} : memref<8x1024xf32, #tpu.memory_space<vmem>>, vector<16xf32>,
      %mul3A_161 = arith.constant 16 : i32
      %mul3A_162 = arith.muli %scan3A_125, %mul3A_161 : i32
      %swap3A_163 = arith.constant 6 : i32
      %swap3A_164 = arith.index_cast %swap3A_163 : i32 to index
      %swap3A_165 = arith.index_cast %mul3A_162 : i32 to index
      %swap3A_166 = tpu.vector_load %arg13[%swap3A_164, %swap3A_165] {strides = array<i32>} : memref<8x1024xf32, #tpu.memory_space<vmem>>, vector<16xf32>,
      tpu.vector_store %arg13[%swap3A_164, %swap3A_165], %broadcast_in_dim3A_33 {strides = array<i32>} : memref<8x1024xf32, #tpu.memory_space<vmem>>, vector<16xf32>,
      %mul3A_167 = arith.constant 16 : i32
      %mul3A_168 = arith.muli %scan3A_125, %mul3A_167 : i32
      %swap3A_169 = arith.constant 7 : i32
      %swap3A_170 = arith.index_cast %swap3A_169 : i32 to index
      %swap3A_171 = arith.index_cast %mul3A_168 : i32 to index
      %swap3A_172 = tpu.vector_load %arg13[%swap3A_170, %swap3A_171] {strides = array<i32>} : memref<8x1024xf32, #tpu.memory_space<vmem>>, vector<16xf32>,
      tpu.vector_store %arg13[%swap3A_170, %swap3A_171], %broadcast_in_dim3A_33 {strides = array<i32>} : memref<8x1024xf32, #tpu.memory_space<vmem>>, vector<16xf32>,
      %mul3A_173 = arith.constant 16 : i32
      %mul3A_174 = arith.muli %scan3A_125, %mul3A_173 : i32
      %swap3A_175 = arith.constant 0 : i32
      %swap3A_176 = arith.index_cast %swap3A_175 : i32 to index
      %swap3A_177 = arith.index_cast %mul3A_174 : i32 to index
      %swap3A_178 = tpu.vector_load %arg14[%swap3A_176, %swap3A_177] {strides = array<i32>} : memref<8x1024xf32, #tpu.memory_space<vmem>>, vector<16xf32>,
      tpu.vector_store %arg14[%swap3A_176, %swap3A_177], %broadcast_in_dim3A_33 {strides = array<i32>} : memref<8x1024xf32, #tpu.memory_space<vmem>>, vector<16xf32>,
    }
    %scan3A_100 = arith.constant 64 : i32
    %scan3A_101 = arith.constant 0 : i32
    %scan3A_102 = arith.constant 0 : i32
    %scan3A_103 = arith.constant 6 : i32
    %scan3A_104 = arith.addi %scan3A_102, %scan3A_103 : i32
    %scan3A_105 = arith.constant 1 : i32
    scf.for %scan3A_125 = %scan3A_102 to %scan3A_104 step %scan3A_105  : i32 {
      %mul3A_126 = arith.constant 2 : i32
      %mul3A_127 = arith.muli %mul3A_126, %scan3A_125 : i32
      %add3A_128 = arith.constant 0 : i32
      %add3A_129 = arith.addi %mul3A_127, %add3A_128 : i32
      %dma_wait3A_130 = arith.constant 0 : i32
      %dma_wait3A_131 = tpu.memref_slice %arg4[%dma_wait3A_130] : memref<100000xi32, #tpu.memory_space<hbm>> -> memref<2048xi32, #tpu.memory_space<hbm>>
      %dma_wait3A_132 = arith.constant 0 : i32
      %dma_wait3A_133 = tpu.memref_slice %arg4[%dma_wait3A_132] : memref<100000xi32, #tpu.memory_space<hbm>> -> memref<2048xi32, #tpu.memory_space<hbm>>
      tpu.wait_dma2 semaphore(%arg19 : memref<!tpu.dma_semaphore, #tpu.memory_space<semaphore_mem>>) src(%dma_wait3A_133 : memref<2048xi32, #tpu.memory_space<hbm>>) dst(%arg8 : memref<2048xi32, #tpu.memory_space<vmem>>)
      %dma_wait3A_134 = arith.constant 0 : i32
      %dma_wait3A_135 = arith.constant 0 : i32
      %dma_wait3A_136 = tpu.memref_slice %arg2[%dma_wait3A_134, %dma_wait3A_135] : memref<64x100000xf32, #tpu.memory_space<hbm>> -> memref<8x2048xf32, #tpu.memory_space<hbm>>
      %dma_wait3A_137 = arith.constant 0 : i32
      %dma_wait3A_138 = arith.constant 0 : i32
      %dma_wait3A_139 = tpu.memref_slice %arg2[%dma_wait3A_137, %dma_wait3A_138] : memref<64x100000xf32, #tpu.memory_space<hbm>> -> memref<8x2048xf32, #tpu.memory_space<hbm>>
      tpu.wait_dma2 semaphore(%arg19 : memref<!tpu.dma_semaphore, #tpu.memory_space<semaphore_mem>>) src(%dma_wait3A_139 : memref<8x2048xf32, #tpu.memory_space<hbm>>) dst(%arg9 : memref<8x2048xf32, #tpu.memory_space<vmem>>)
      %add3A_140 = arith.constant 2 : i32
      %add3A_141 = arith.addi %add3A_129, %add3A_140 : i32
      %lt3A_142 = arith.constant 12 : i32
      %lt3A_143 = arith.cmpi slt, %add3A_141, %lt3A_142 : i32
      %convert_element_type3A_144 = arith.extui %lt3A_143 : i1 to i32
      %cond3A_145 = arith.constant 0 : i32
      %cond3A_146 = arith.cmpi ne, %convert_element_type3A_144, %cond3A_145 : i32
      scf.if %cond3A_146 {
        %add3A_168 = arith.constant 2 : i32
        %add3A_169 = arith.addi %add3A_129, %add3A_168 : i32
        %mul3A_170 = arith.constant 4 : i32
        %mul3A_171 = arith.muli %mul3A_170, %add3A_169 : i32
        %add3A_172 = arith.addi %select_n3A_30, %mul3A_171 : i32
        %mul3A_173 = arith.constant 2048 : i32
        %mul3A_174 = arith.muli %add3A_172, %mul3A_173 : i32
        %multiple_of3A_175 = tpu.assume_multiple %mul3A_174, 2048 : i32
        %dma_start3A_176 = tpu.memref_slice %arg4[%multiple_of3A_175] : memref<100000xi32, #tpu.memory_space<hbm>> -> memref<2048xi32, #tpu.memory_space<hbm>>
        %dma_start3A_177 = tpu.memref_slice %arg4[%multiple_of3A_175] : memref<100000xi32, #tpu.memory_space<hbm>> -> memref<2048xi32, #tpu.memory_space<hbm>>
        tpu.enqueue_dma source(%dma_start3A_177 : memref<2048xi32, #tpu.memory_space<hbm>>) target(%arg8 : memref<2048xi32, #tpu.memory_space<vmem>>) target_semaphore(%arg19 : memref<!tpu.dma_semaphore, #tpu.memory_space<semaphore_mem>>)
        %dma_start3A_178 = tpu.memref_slice %arg2[%multiple_of3A, %multiple_of3A_175] : memref<64x100000xf32, #tpu.memory_space<hbm>> -> memref<8x2048xf32, #tpu.memory_space<hbm>>
        %dma_start3A_179 = tpu.memref_slice %arg2[%multiple_of3A, %multiple_of3A_175] : memref<64x100000xf32, #tpu.memory_space<hbm>> -> memref<8x2048xf32, #tpu.memory_space<hbm>>
        tpu.enqueue_dma source(%dma_start3A_179 : memref<8x2048xf32, #tpu.memory_space<hbm>>) target(%arg9 : memref<8x2048xf32, #tpu.memory_space<vmem>>) target_semaphore(%arg19 : memref<!tpu.dma_semaphore, #tpu.memory_space<semaphore_mem>>)
      } else {
      }
      %mul3A_147 = arith.constant 2 : i32
      %mul3A_148 = arith.muli %mul3A_147, %scan3A_125 : i32
      %add3A_149 = arith.constant 1 : i32
      %add3A_150 = arith.addi %mul3A_148, %add3A_149 : i32
      %dma_wait3A_151 = arith.constant 0 : i32
      %dma_wait3A_152 = tpu.memref_slice %arg4[%dma_wait3A_151] : memref<100000xi32, #tpu.memory_space<hbm>> -> memref<2048xi32, #tpu.memory_space<hbm>>
      %dma_wait3A_153 = arith.constant 0 : i32
      %dma_wait3A_154 = tpu.memref_slice %arg4[%dma_wait3A_153] : memref<100000xi32, #tpu.memory_space<hbm>> -> memref<2048xi32, #tpu.memory_space<hbm>>
      tpu.wait_dma2 semaphore(%arg20 : memref<!tpu.dma_semaphore, #tpu.memory_space<semaphore_mem>>) src(%dma_wait3A_154 : memref<2048xi32, #tpu.memory_space<hbm>>) dst(%arg10 : memref<2048xi32, #tpu.memory_space<vmem>>)
      %dma_wait3A_155 = arith.constant 0 : i32
      %dma_wait3A_156 = arith.constant 0 : i32
      %dma_wait3A_157 = tpu.memref_slice %arg2[%dma_wait3A_155, %dma_wait3A_156] : memref<64x100000xf32, #tpu.memory_space<hbm>> -> memref<8x2048xf32, #tpu.memory_space<hbm>>
      %dma_wait3A_158 = arith.constant 0 : i32
      %dma_wait3A_159 = arith.constant 0 : i32
      %dma_wait3A_160 = tpu.memref_slice %arg2[%dma_wait3A_158, %dma_wait3A_159] : memref<64x100000xf32, #tpu.memory_space<hbm>> -> memref<8x2048xf32, #tpu.memory_space<hbm>>
      tpu.wait_dma2 semaphore(%arg20 : memref<!tpu.dma_semaphore, #tpu.memory_space<semaphore_mem>>) src(%dma_wait3A_160 : memref<8x2048xf32, #tpu.memory_space<hbm>>) dst(%arg11 : memref<8x2048xf32, #tpu.memory_space<vmem>>)
      %add3A_161 = arith.constant 2 : i32
      %add3A_162 = arith.addi %add3A_150, %add3A_161 : i32
      %lt3A_163 = arith.constant 12 : i32
      %lt3A_164 = arith.cmpi slt, %add3A_162, %lt3A_163 : i32
      %convert_element_type3A_165 = arith.extui %lt3A_164 : i1 to i32
      %cond3A_166 = arith.constant 0 : i32
      %cond3A_167 = arith.cmpi ne, %convert_element_type3A_165, %cond3A_166 : i32
      scf.if %cond3A_167 {
        %add3A_168 = arith.constant 2 : i32
        %add3A_169 = arith.addi %add3A_150, %add3A_168 : i32
        %mul3A_170 = arith.constant 4 : i32
        %mul3A_171 = arith.muli %mul3A_170, %add3A_169 : i32
        %add3A_172 = arith.addi %select_n3A_30, %mul3A_171 : i32
        %mul3A_173 = arith.constant 2048 : i32
        %mul3A_174 = arith.muli %add3A_172, %mul3A_173 : i32
        %multiple_of3A_175 = tpu.assume_multiple %mul3A_174, 2048 : i32
        %dma_start3A_176 = tpu.memref_slice %arg4[%multiple_of3A_175] : memref<100000xi32, #tpu.memory_space<hbm>> -> memref<2048xi32, #tpu.memory_space<hbm>>
        %dma_start3A_177 = tpu.memref_slice %arg4[%multiple_of3A_175] : memref<100000xi32, #tpu.memory_space<hbm>> -> memref<2048xi32, #tpu.memory_space<hbm>>
        tpu.enqueue_dma source(%dma_start3A_177 : memref<2048xi32, #tpu.memory_space<hbm>>) target(%arg10 : memref<2048xi32, #tpu.memory_space<vmem>>) target_semaphore(%arg20 : memref<!tpu.dma_semaphore, #tpu.memory_space<semaphore_mem>>)
        %dma_start3A_178 = tpu.memref_slice %arg2[%multiple_of3A, %multiple_of3A_175] : memref<64x100000xf32, #tpu.memory_space<hbm>> -> memref<8x2048xf32, #tpu.memory_space<hbm>>
        %dma_start3A_179 = tpu.memref_slice %arg2[%multiple_of3A, %multiple_of3A_175] : memref<64x100000xf32, #tpu.memory_space<hbm>> -> memref<8x2048xf32, #tpu.memory_space<hbm>>
        tpu.enqueue_dma source(%dma_start3A_179 : memref<8x2048xf32, #tpu.memory_space<hbm>>) target(%arg11 : memref<8x2048xf32, #tpu.memory_space<vmem>>) target_semaphore(%arg20 : memref<!tpu.dma_semaphore, #tpu.memory_space<semaphore_mem>>)
      } else {
      }
    }
    %scan3A_106 = arith.constant 6 : i32
    %eq3A_107 = arith.constant 3 : i32
    %eq3A_108 = arith.cmpi eq, %select_n3A_30, %eq3A_107 : i32
    %convert_element_type3A_109 = arith.extui %eq3A_108 : i1 to i32
    %cond3A_110 = arith.constant 0 : i32
    %cond3A_111 = arith.cmpi ne, %convert_element_type3A_109, %cond3A_110 : i32
    scf.if %cond3A_111 {
      %dma_start3A_125 = arith.constant 0 : i32
      %dma_start3A_126 = tpu.memref_slice %arg8[%dma_start3A_125] : memref<2048xi32, #tpu.memory_space<vmem>> -> memref<1664xi32, #tpu.memory_space<vmem>>
      %dma_start3A_127 = arith.constant 98304 : i32
      %dma_start3A_128 = tpu.memref_slice %arg4[%dma_start3A_127] : memref<100000xi32, #tpu.memory_space<hbm>> -> memref<1664xi32, #tpu.memory_space<hbm>>
      %dma_start3A_129 = arith.constant 0 : i32
      %dma_start3A_130 = tpu.memref_slice %arg8[%dma_start3A_129] : memref<2048xi32, #tpu.memory_space<vmem>> -> memref<1664xi32, #tpu.memory_space<vmem>>
      %dma_start3A_131 = arith.constant 98304 : i32
      %dma_start3A_132 = tpu.memref_slice %arg4[%dma_start3A_131] : memref<100000xi32, #tpu.memory_space<hbm>> -> memref<1664xi32, #tpu.memory_space<hbm>>
      tpu.enqueue_dma source(%dma_start3A_132 : memref<1664xi32, #tpu.memory_space<hbm>>) target(%dma_start3A_130 : memref<1664xi32, #tpu.memory_space<vmem>>) target_semaphore(%arg19 : memref<!tpu.dma_semaphore, #tpu.memory_space<semaphore_mem>>)
      %dma_start3A_133 = arith.constant 0 : i32
      %dma_start3A_134 = arith.constant 0 : i32
      %dma_start3A_135 = tpu.memref_slice %arg9[%dma_start3A_133, %dma_start3A_134] : memref<8x2048xf32, #tpu.memory_space<vmem>> -> memref<8x1664xf32, #tpu.memory_space<vmem>>
      %dma_start3A_136 = arith.constant 98304 : i32
      %dma_start3A_137 = tpu.memref_slice %arg2[%multiple_of3A, %dma_start3A_136] : memref<64x100000xf32, #tpu.memory_space<hbm>> -> memref<8x1664xf32, #tpu.memory_space<hbm>>
      %dma_start3A_138 = arith.constant 0 : i32
      %dma_start3A_139 = arith.constant 0 : i32
      %dma_start3A_140 = tpu.memref_slice %arg9[%dma_start3A_138, %dma_start3A_139] : memref<8x2048xf32, #tpu.memory_space<vmem>> -> memref<8x1664xf32, #tpu.memory_space<vmem>>
      %dma_start3A_141 = arith.constant 98304 : i32
      %dma_start3A_142 = tpu.memref_slice %arg2[%multiple_of3A, %dma_start3A_141] : memref<64x100000xf32, #tpu.memory_space<hbm>> -> memref<8x1664xf32, #tpu.memory_space<hbm>>
      tpu.enqueue_dma source(%dma_start3A_142 : memref<8x1664xf32, #tpu.memory_space<hbm>>) target(%dma_start3A_140 : memref<8x1664xf32, #tpu.memory_space<vmem>>) target_semaphore(%arg19 : memref<!tpu.dma_semaphore, #tpu.memory_space<semaphore_mem>>)
      %dma_wait3A_143 = arith.constant 0 : i32
      %dma_wait3A_144 = tpu.memref_slice %arg8[%dma_wait3A_143] : memref<2048xi32, #tpu.memory_space<vmem>> -> memref<1664xi32, #tpu.memory_space<vmem>>
      %dma_wait3A_145 = arith.constant 0 : i32
      %dma_wait3A_146 = tpu.memref_slice %arg4[%dma_wait3A_145] : memref<100000xi32, #tpu.memory_space<hbm>> -> memref<1664xi32, #tpu.memory_space<hbm>>
      %dma_wait3A_147 = arith.constant 0 : i32
      %dma_wait3A_148 = tpu.memref_slice %arg8[%dma_wait3A_147] : memref<2048xi32, #tpu.memory_space<vmem>> -> memref<1664xi32, #tpu.memory_space<vmem>>
      %dma_wait3A_149 = arith.constant 0 : i32
      %dma_wait3A_150 = tpu.memref_slice %arg4[%dma_wait3A_149] : memref<100000xi32, #tpu.memory_space<hbm>> -> memref<1664xi32, #tpu.memory_space<hbm>>
      tpu.wait_dma2 semaphore(%arg19 : memref<!tpu.dma_semaphore, #tpu.memory_space<semaphore_mem>>) src(%dma_wait3A_150 : memref<1664xi32, #tpu.memory_space<hbm>>) dst(%dma_wait3A_148 : memref<1664xi32, #tpu.memory_space<vmem>>)
      %dma_wait3A_151 = arith.constant 0 : i32
      %dma_wait3A_152 = arith.constant 0 : i32
      %dma_wait3A_153 = tpu.memref_slice %arg9[%dma_wait3A_151, %dma_wait3A_152] : memref<8x2048xf32, #tpu.memory_space<vmem>> -> memref<8x1664xf32, #tpu.memory_space<vmem>>
      %dma_wait3A_154 = arith.constant 0 : i32
      %dma_wait3A_155 = arith.constant 0 : i32
      %dma_wait3A_156 = tpu.memref_slice %arg2[%dma_wait3A_154, %dma_wait3A_155] : memref<64x100000xf32, #tpu.memory_space<hbm>> -> memref<8x1664xf32, #tpu.memory_space<hbm>>
      %dma_wait3A_157 = arith.constant 0 : i32
      %dma_wait3A_158 = arith.constant 0 : i32
      %dma_wait3A_159 = tpu.memref_slice %arg9[%dma_wait3A_157, %dma_wait3A_158] : memref<8x2048xf32, #tpu.memory_space<vmem>> -> memref<8x1664xf32, #tpu.memory_space<vmem>>
      %dma_wait3A_160 = arith.constant 0 : i32
      %dma_wait3A_161 = arith.constant 0 : i32
      %dma_wait3A_162 = tpu.memref_slice %arg2[%dma_wait3A_160, %dma_wait3A_161] : memref<64x100000xf32, #tpu.memory_space<hbm>> -> memref<8x1664xf32, #tpu.memory_space<hbm>>
      tpu.wait_dma2 semaphore(%arg19 : memref<!tpu.dma_semaphore, #tpu.memory_space<semaphore_mem>>) src(%dma_wait3A_162 : memref<8x1664xf32, #tpu.memory_space<hbm>>) dst(%dma_wait3A_159 : memref<8x1664xf32, #tpu.memory_space<vmem>>)
    } else {
    }
    %eq3A_112 = arith.constant 0 : i32
    %eq3A_113 = arith.cmpi eq, %select_n3A_30, %eq3A_112 : i32
    %convert_element_type3A_114 = arith.extui %eq3A_113 : i1 to i32
    %cond3A_115 = arith.constant 0 : i32
    %cond3A_116 = arith.cmpi ne, %convert_element_type3A_114, %cond3A_115 : i32
    scf.if %cond3A_116 {
      "tpu.region"() ({
        %run_scoped3A = tpu.sem_alloc : memref<!tpu.dma_semaphore, #tpu.memory_space<semaphore_mem>>
        %dma_start3A_125 = arith.constant 99968 : i32
        %dma_start3A_126 = tpu.memref_slice %arg4[%dma_start3A_125] : memref<100000xi32, #tpu.memory_space<hbm>> -> memref<32xi32, #tpu.memory_space<hbm>>
        %dma_start3A_127 = arith.constant 99968 : i32
        %dma_start3A_128 = tpu.memref_slice %arg4[%dma_start3A_127] : memref<100000xi32, #tpu.memory_space<hbm>> -> memref<32xi32, #tpu.memory_space<hbm>>
        tpu.enqueue_dma source(%dma_start3A_128 : memref<32xi32, #tpu.memory_space<hbm>>) target(%arg18 : memref<32xi32, #tpu.memory_space<vmem>>) target_semaphore(%run_scoped3A : memref<!tpu.dma_semaphore, #tpu.memory_space<semaphore_mem>>)
        %dma_wait3A_129 = arith.constant 99968 : i32
        %dma_wait3A_130 = tpu.memref_slice %arg4[%dma_wait3A_129] : memref<100000xi32, #tpu.memory_space<hbm>> -> memref<32xi32, #tpu.memory_space<hbm>>
        %dma_wait3A_131 = arith.constant 99968 : i32
        %dma_wait3A_132 = tpu.memref_slice %arg4[%dma_wait3A_131] : memref<100000xi32, #tpu.memory_space<hbm>> -> memref<32xi32, #tpu.memory_space<hbm>>
        tpu.wait_dma2 semaphore(%run_scoped3A : memref<!tpu.dma_semaphore, #tpu.memory_space<semaphore_mem>>) src(%dma_wait3A_132 : memref<32xi32, #tpu.memory_space<hbm>>) dst(%arg18 : memref<32xi32, #tpu.memory_space<vmem>>)
        tpu.yield
      }) : () -> ()
      "tpu.region"() ({
        %run_scoped3A = tpu.sem_alloc : memref<!tpu.dma_semaphore, #tpu.memory_space<semaphore_mem>>
        %dma_start3A_125 = arith.constant 0 : i32
        %dma_start3A_126 = tpu.memref_slice %arg3[%multiple_of3A, %dma_start3A_125] : memref<64x32xf32, #tpu.memory_space<hbm>> -> memref<8x32xf32, #tpu.memory_space<hbm>>
        %dma_start3A_127 = arith.constant 0 : i32
        %dma_start3A_128 = tpu.memref_slice %arg3[%multiple_of3A, %dma_start3A_127] : memref<64x32xf32, #tpu.memory_space<hbm>> -> memref<8x32xf32, #tpu.memory_space<hbm>>
        tpu.enqueue_dma source(%dma_start3A_128 : memref<8x32xf32, #tpu.memory_space<hbm>>) target(%arg17 : memref<8x32xf32, #tpu.memory_space<vmem>>) target_semaphore(%run_scoped3A : memref<!tpu.dma_semaphore, #tpu.memory_space<semaphore_mem>>)
        %dma_wait3A_129 = arith.constant 0 : i32
        %dma_wait3A_130 = tpu.memref_slice %arg3[%multiple_of3A, %dma_wait3A_129] : memref<64x32xf32, #tpu.memory_space<hbm>> -> memref<8x32xf32, #tpu.memory_space<hbm>>
        %dma_wait3A_131 = arith.constant 0 : i32
        %dma_wait3A_132 = tpu.memref_slice %arg3[%multiple_of3A, %dma_wait3A_131] : memref<64x32xf32, #tpu.memory_space<hbm>> -> memref<8x32xf32, #tpu.memory_space<hbm>>
        tpu.wait_dma2 semaphore(%run_scoped3A : memref<!tpu.dma_semaphore, #tpu.memory_space<semaphore_mem>>) src(%dma_wait3A_132 : memref<8x32xf32, #tpu.memory_space<hbm>>) dst(%arg17 : memref<8x32xf32, #tpu.memory_space<vmem>>)
        tpu.yield
      }) : () -> ()
    } else {
    }
    %dma_wait3A = arith.constant 0 : i32
    %dma_wait3A_117 = tpu.memref_slice %arg4[%dma_wait3A] : memref<100000xi32, #tpu.memory_space<hbm>> -> memref<3136xi32, #tpu.memory_space<hbm>>
    %dma_wait3A_118 = arith.constant 0 : i32
    %dma_wait3A_119 = tpu.memref_slice %arg4[%dma_wait3A_118] : memref<100000xi32, #tpu.memory_space<hbm>> -> memref<3136xi32, #tpu.memory_space<hbm>>
    tpu.wait_dma2 semaphore(%arg21 : memref<!tpu.dma_semaphore, #tpu.memory_space<semaphore_mem>>) src(%dma_wait3A_119 : memref<3136xi32, #tpu.memory_space<hbm>>) dst(%arg12 : memref<3136xi32, #tpu.memory_space<vmem>>)
    "tpu.region"() ({
      %run_scoped3A = tpu.sem_alloc : memref<!tpu.dma_semaphore, #tpu.memory_space<semaphore_mem>>
      %dma_start3A_125 = arith.constant 0 : i32
      %dma_start3A_126 = tpu.memref_slice %arg6[%select_n3A_30, %multiple_of3A, %dma_start3A_125] : memref<4x128x1024xf32, #tpu.memory_space<hbm>> -> memref<1x8x1024xf32, #tpu.memory_space<hbm>>
      %dma_start3A_127 = tpu.memref_squeeze %dma_start3A_126 : memref<1x8x1024xf32, #tpu.memory_space<hbm>> -> memref<8x1024xf32, #tpu.memory_space<hbm>>
      %dma_start3A_128 = arith.constant 0 : i32
      %dma_start3A_129 = tpu.memref_slice %arg6[%select_n3A_30, %multiple_of3A, %dma_start3A_128] : memref<4x128x1024xf32, #tpu.memory_space<hbm>> -> memref<1x8x1024xf32, #tpu.memory_space<hbm>>
      %dma_start3A_130 = tpu.memref_squeeze %dma_start3A_129 : memref<1x8x1024xf32, #tpu.memory_space<hbm>> -> memref<8x1024xf32, #tpu.memory_space<hbm>>
      tpu.enqueue_dma source(%arg13 : memref<8x1024xf32, #tpu.memory_space<vmem>>) target(%dma_start3A_130 : memref<8x1024xf32, #tpu.memory_space<hbm>>) target_semaphore(%run_scoped3A : memref<!tpu.dma_semaphore, #tpu.memory_space<semaphore_mem>>)
      %dma_wait3A_131 = arith.constant 0 : i32
      %dma_wait3A_132 = tpu.memref_slice %arg6[%select_n3A_30, %multiple_of3A, %dma_wait3A_131] : memref<4x128x1024xf32, #tpu.memory_space<hbm>> -> memref<1x8x1024xf32, #tpu.memory_space<hbm>>
      %dma_wait3A_133 = tpu.memref_squeeze %dma_wait3A_132 : memref<1x8x1024xf32, #tpu.memory_space<hbm>> -> memref<8x1024xf32, #tpu.memory_space<hbm>>
      %dma_wait3A_134 = arith.constant 0 : i32
      %dma_wait3A_135 = tpu.memref_slice %arg6[%select_n3A_30, %multiple_of3A, %dma_wait3A_134] : memref<4x128x1024xf32, #tpu.memory_space<hbm>> -> memref<1x8x1024xf32, #tpu.memory_space<hbm>>
      %dma_wait3A_136 = tpu.memref_squeeze %dma_wait3A_135 : memref<1x8x1024xf32, #tpu.memory_space<hbm>> -> memref<8x1024xf32, #tpu.memory_space<hbm>>
      tpu.wait_dma2 semaphore(%run_scoped3A : memref<!tpu.dma_semaphore, #tpu.memory_space<semaphore_mem>>) src(%arg13 : memref<8x1024xf32, #tpu.memory_space<vmem>>) dst(%dma_wait3A_136 : memref<8x1024xf32, #tpu.memory_space<hbm>>)
      tpu.yield
    }) : () -> ()
    %mul3A_120 = arith.constant 8 : i32
    %mul3A_121 = arith.muli %mul3A_120, %select_n3A : i32
    %add3A_122 = arith.constant 64 : i32
    %add3A_123 = arith.addi %add3A_122, %mul3A_121 : i32
    %multiple_of3A_124 = tpu.assume_multiple %add3A_123, 8 : i32
    "tpu.region"() ({
      %run_scoped3A = tpu.sem_alloc : memref<!tpu.dma_semaphore, #tpu.memory_space<semaphore_mem>>
      %dma_start3A_125 = arith.constant 0 : i32
      %dma_start3A_126 = tpu.memref_slice %arg6[%select_n3A_30, %multiple_of3A_124, %dma_start3A_125] : memref<4x128x1024xf32, #tpu.memory_space<hbm>> -> memref<1x8x1024xf32, #tpu.memory_space<hbm>>
      %dma_start3A_127 = tpu.memref_squeeze %dma_start3A_126 : memref<1x8x1024xf32, #tpu.memory_space<hbm>> -> memref<8x1024xf32, #tpu.memory_space<hbm>>
      %dma_start3A_128 = arith.constant 0 : i32
      %dma_start3A_129 = tpu.memref_slice %arg6[%select_n3A_30, %multiple_of3A_124, %dma_start3A_128] : memref<4x128x1024xf32, #tpu.memory_space<hbm>> -> memref<1x8x1024xf32, #tpu.memory_space<hbm>>
      %dma_start3A_130 = tpu.memref_squeeze %dma_start3A_129 : memref<1x8x1024xf32, #tpu.memory_space<hbm>> -> memref<8x1024xf32, #tpu.memory_space<hbm>>
      tpu.enqueue_dma source(%arg14 : memref<8x1024xf32, #tpu.memory_space<vmem>>) target(%dma_start3A_130 : memref<8x1024xf32, #tpu.memory_space<hbm>>) target_semaphore(%run_scoped3A : memref<!tpu.dma_semaphore, #tpu.memory_space<semaphore_mem>>)
      %dma_wait3A_131 = arith.constant 0 : i32
      %dma_wait3A_132 = tpu.memref_slice %arg6[%select_n3A_30, %multiple_of3A_124, %dma_wait3A_131] : memref<4x128x1024xf32, #tpu.memory_space<hbm>> -> memref<1x8x1024xf32, #tpu.memory_space<hbm>>
      %dma_wait3A_133 = tpu.memref_squeeze %dma_wait3A_132 : memref<1x8x1024xf32, #tpu.memory_space<hbm>> -> memref<8x1024xf32, #tpu.memory_space<hbm>>
      %dma_wait3A_134 = arith.constant 0 : i32
      %dma_wait3A_135 = tpu.memref_slice %arg6[%select_n3A_30, %multiple_of3A_124, %dma_wait3A_134] : memref<4x128x1024xf32, #tpu.memory_space<hbm>> -> memref<1x8x1024xf32, #tpu.memory_space<hbm>>
      %dma_wait3A_136 = tpu.memref_squeeze %dma_wait3A_135 : memref<1x8x1024xf32, #tpu.memory_space<hbm>> -> memref<8x1024xf32, #tpu.memory_space<hbm>>
      tpu.wait_dma2 semaphore(%run_scoped3A : memref<!tpu.dma_semaphore, #tpu.memory_space<semaphore_mem>>) src(%arg14 : memref<8x1024xf32, #tpu.memory_space<vmem>>) dst(%dma_wait3A_136 : memref<8x1024xf32, #tpu.memory_space<hbm>>)
      tpu.yield
    }) : () -> ()
    return
  }
}

module attributes {stable_mosaic.version = 14 : i64} {
  func.func @_tc_body(%arg0: memref<4x128x1024xf32, #tpu.memory_space<vmem>>, %arg1: memref<64x64xf32, #tpu.memory_space<vmem>>, %arg2: memref<64x64xf32, #tpu.memory_space<vmem>>, %arg3: memref<64x1xi32, #tpu.memory_space<vmem>>, %arg4: memref<1x128xf32, #tpu.memory_space<vmem>>) attributes {dimension_semantics = [], scalar_prefetch = 0 : i64, scratch_operands = 0 : i64, tpu.core_type = #tpu.core_type<tc>} {
    %get3A = arith.constant 0 : index
    %get3A_0 = arith.constant 0 : index
    %get3A_1 = arith.constant 0 : index
    %get3A_2 = vector.load %arg0[%get3A, %get3A_0, %get3A_1] : memref<4x128x1024xf32, #tpu.memory_space<vmem>>, vector<1x128x1024xf32>
    %get3A_3 = vector.shape_cast %get3A_2 : vector<1x128x1024xf32> to vector<128x1024xf32>
    %get3A_4 = arith.constant 1 : index
    %get3A_5 = arith.constant 0 : index
    %get3A_6 = arith.constant 0 : index
    %get3A_7 = vector.load %arg0[%get3A_4, %get3A_5, %get3A_6] : memref<4x128x1024xf32, #tpu.memory_space<vmem>>, vector<1x128x1024xf32>
    %get3A_8 = vector.shape_cast %get3A_7 : vector<1x128x1024xf32> to vector<128x1024xf32>
    %add3A = arith.addf %get3A_3, %get3A_8 : vector<128x1024xf32>
    %get3A_9 = arith.constant 2 : index
    %get3A_10 = arith.constant 0 : index
    %get3A_11 = arith.constant 0 : index
    %get3A_12 = vector.load %arg0[%get3A_9, %get3A_10, %get3A_11] : memref<4x128x1024xf32, #tpu.memory_space<vmem>>, vector<1x128x1024xf32>
    %get3A_13 = vector.shape_cast %get3A_12 : vector<1x128x1024xf32> to vector<128x1024xf32>
    %get3A_14 = arith.constant 3 : index
    %get3A_15 = arith.constant 0 : index
    %get3A_16 = arith.constant 0 : index
    %get3A_17 = vector.load %arg0[%get3A_14, %get3A_15, %get3A_16] : memref<4x128x1024xf32, #tpu.memory_space<vmem>>, vector<1x128x1024xf32>
    %get3A_18 = vector.shape_cast %get3A_17 : vector<1x128x1024xf32> to vector<128x1024xf32>
    %add3A_19 = arith.addf %get3A_13, %get3A_18 : vector<128x1024xf32>
    %add3A_20 = arith.addf %add3A, %add3A_19 : vector<128x1024xf32>
    %slice3A = vector.extract_strided_slice %add3A_20 {offsets = [64, 0], sizes = [1, 1024], strides = [1, 1]} : vector<128x1024xf32> to vector<1x1024xf32>
    %slice3A_21 = vector.extract_strided_slice %add3A_20 {offsets = [72, 0], sizes = [1, 1024], strides = [1, 1]} : vector<128x1024xf32> to vector<1x1024xf32>
    %add3A_22 = arith.addf %slice3A, %slice3A_21 : vector<1x1024xf32>
    %slice3A_23 = vector.extract_strided_slice %add3A_20 {offsets = [80, 0], sizes = [1, 1024], strides = [1, 1]} : vector<128x1024xf32> to vector<1x1024xf32>
    %add3A_24 = arith.addf %add3A_22, %slice3A_23 : vector<1x1024xf32>
    %slice3A_25 = vector.extract_strided_slice %add3A_20 {offsets = [88, 0], sizes = [1, 1024], strides = [1, 1]} : vector<128x1024xf32> to vector<1x1024xf32>
    %add3A_26 = arith.addf %add3A_24, %slice3A_25 : vector<1x1024xf32>
    %slice3A_27 = vector.extract_strided_slice %add3A_20 {offsets = [96, 0], sizes = [1, 1024], strides = [1, 1]} : vector<128x1024xf32> to vector<1x1024xf32>
    %add3A_28 = arith.addf %add3A_26, %slice3A_27 : vector<1x1024xf32>
    %slice3A_29 = vector.extract_strided_slice %add3A_20 {offsets = [104, 0], sizes = [1, 1024], strides = [1, 1]} : vector<128x1024xf32> to vector<1x1024xf32>
    %add3A_30 = arith.addf %add3A_28, %slice3A_29 : vector<1x1024xf32>
    %slice3A_31 = vector.extract_strided_slice %add3A_20 {offsets = [112, 0], sizes = [1, 1024], strides = [1, 1]} : vector<128x1024xf32> to vector<1x1024xf32>
    %add3A_32 = arith.addf %add3A_30, %slice3A_31 : vector<1x1024xf32>
    %slice3A_33 = vector.extract_strided_slice %add3A_20 {offsets = [120, 0], sizes = [1, 1024], strides = [1, 1]} : vector<128x1024xf32> to vector<1x1024xf32>
    %add3A_34 = arith.addf %add3A_32, %slice3A_33 : vector<1x1024xf32>
    %gt3A = arith.constant 0.000000e+00 : f32
    %gt3A_35 = vector.broadcast %gt3A : f32 to vector<1x1024xf32>
    %gt3A_36 = arith.cmpf ogt, %add3A_34, %gt3A_35 : vector<1x1024xf32>
    %convert_element_type3A = arith.extui %gt3A_36 : vector<1x1024xi1> to vector<1x1024xi32>
    %convert_element_type3A_37 = arith.sitofp %convert_element_type3A : vector<1x1024xi32> to vector<1x1024xf32>
    %slice3A_38 = vector.extract_strided_slice %add3A_20 {offsets = [0, 0], sizes = [64, 1024], strides = [1, 1]} : vector<128x1024xf32> to vector<64x1024xf32>
    %mul3A = arith.mulf %convert_element_type3A_37, %add3A_34 : vector<1x1024xf32>
    %sub3A = arith.constant 1.000000e+00 : f32
    %sub3A_39 = vector.broadcast %sub3A : f32 to vector<1x1024xf32>
    %sub3A_40 = arith.subf %sub3A_39, %convert_element_type3A_37 : vector<1x1024xf32>
    %add3A_41 = arith.addf %mul3A, %sub3A_40 : vector<1x1024xf32>
    %div3A = vector.broadcast %add3A_41 : vector<1x1024xf32> to vector<64x1024xf32>
    %div3A_42 = arith.divf %slice3A_38, %div3A : vector<64x1024xf32>
    %get3A_43 = arith.constant 0 : index
    %get3A_44 = arith.constant 0 : index
    %get3A_45 = vector.load %arg1[%get3A_43, %get3A_44] : memref<64x64xf32, #tpu.memory_space<vmem>>, vector<64x64xf32>
    %dot_general3A = arith.constant dense<0.000000e+00> : vector<64x1024xf32>
    %dot_general3A_46 = tpu.matmul %get3A_45, %div3A_42, %dot_general3A {dimension_numbers = #tpu.dot_dimension_numbers<[1], [0], [0], [1], [0, 0, 1, 1], [], []>, precision = #tpu.contract_precision<fp32>, transpose_lhs_hint = false} : vector<64x64xf32>, vector<64x1024xf32>, vector<64x1024xf32> -> vector<64x1024xf32>
    %mul3A_47 = arith.constant 2.000000e+01 : f32
    %mul3A_48 = vector.broadcast %mul3A_47 : f32 to vector<64x1024xf32>
    %mul3A_49 = arith.mulf %dot_general3A_46, %mul3A_48 : vector<64x1024xf32>
    %exp3A = math.exp %mul3A_49 : vector<64x1024xf32>
    %mul3A_50 = vector.broadcast %convert_element_type3A_37 : vector<1x1024xf32> to vector<64x1024xf32>
    %mul3A_51 = arith.mulf %exp3A, %mul3A_50 : vector<64x1024xf32>
    %reduce_sum3A = arith.constant dense<0.000000e+00> : vector<64xf32>
    %reduce_sum3A_52 = vector.multi_reduction <add>, %mul3A_51, %reduce_sum3A [1] : vector<64x1024xf32> to vector<64xf32>
    %broadcast_in_dim3A = vector.shape_cast %reduce_sum3A_52 : vector<64xf32> to vector<64x1xf32>
    %add3A_53 = arith.constant 9.99999997E-7 : f32
    %add3A_54 = vector.broadcast %add3A_53 : f32 to vector<64x1xf32>
    %add3A_55 = arith.addf %broadcast_in_dim3A, %add3A_54 : vector<64x1xf32>
    %iota3A = tpu.iota {dimensions = array<i32: 1>} : vector<64x1024xi32>
    %get3A_56 = arith.constant 0 : index
    %get3A_57 = arith.constant 0 : index
    %get3A_58 = vector.load %arg3[%get3A_56, %get3A_57] : memref<64x1xi32, #tpu.memory_space<vmem>>, vector<64x1xi32>
    %eq3A = vector.broadcast %get3A_58 : vector<64x1xi32> to vector<64x1024xi32>
    %eq3A_59 = arith.cmpi eq, %iota3A, %eq3A : vector<64x1024xi32>
    %convert_element_type3A_60 = arith.extui %eq3A_59 : vector<64x1024xi1> to vector<64x1024xi32>
    %convert_element_type3A_61 = arith.sitofp %convert_element_type3A_60 : vector<64x1024xi32> to vector<64x1024xf32>
    %mul3A_62 = arith.mulf %mul3A_51, %convert_element_type3A_61 : vector<64x1024xf32>
    %reduce_sum3A_63 = arith.constant dense<0.000000e+00> : vector<64xf32>
    %reduce_sum3A_64 = vector.multi_reduction <add>, %mul3A_62, %reduce_sum3A_63 [1] : vector<64x1024xf32> to vector<64xf32>
    %broadcast_in_dim3A_65 = vector.shape_cast %reduce_sum3A_64 : vector<64xf32> to vector<64x1xf32>
    %div3A_66 = arith.divf %broadcast_in_dim3A_65, %add3A_55 : vector<64x1xf32>
    %sub3A_67 = arith.constant 1.000000e+00 : f32
    %sub3A_68 = vector.broadcast %sub3A_67 : f32 to vector<64x1xf32>
    %sub3A_69 = arith.subf %sub3A_68, %div3A_66 : vector<64x1xf32>
    %integer_pow3A = arith.mulf %sub3A_69, %sub3A_69 : vector<64x1xf32>
    %integer_pow3A_70 = arith.mulf %integer_pow3A, %integer_pow3A : vector<64x1xf32>
    %neg3A = arith.constant 0.000000e+00 : f32
    %neg3A_71 = vector.broadcast %neg3A : f32 to vector<64x1xf32>
    %neg3A_72 = arith.subf %neg3A_71, %integer_pow3A_70 : vector<64x1xf32>
    %add3A_73 = arith.constant 9.99999997E-7 : f32
    %add3A_74 = vector.broadcast %add3A_73 : f32 to vector<64x1xf32>
    %add3A_75 = arith.addf %div3A_66, %add3A_74 : vector<64x1xf32>
    %log3A = math.log %add3A_75 : vector<64x1xf32>
    %mul3A_76 = arith.mulf %neg3A_72, %log3A : vector<64x1xf32>
    %reduce_sum3A_77 = vector.shape_cast %mul3A_76 : vector<64x1xf32> to vector<1x64x1xf32>
    %reduce_sum3A_78 = arith.constant dense<0.000000e+00> : vector<1xf32>
    %reduce_sum3A_79 = vector.multi_reduction <add>, %reduce_sum3A_77, %reduce_sum3A_78 [1, 2] : vector<1x64x1xf32> to vector<1xf32>
    %reduce_sum3A_80 = vector.shape_cast %reduce_sum3A_79 : vector<1xf32> to vector<1x1x1xf32>
    %reduce_sum3A_81 = vector.extract %reduce_sum3A_80[0, 0, 0] : f32 from vector<1x1x1xf32>
    %div3A_82 = arith.constant 6.400000e+01 : f32
    %div3A_83 = arith.divf %reduce_sum3A_81, %div3A_82 : f32
    %dot_general3A_84 = arith.constant dense<0.000000e+00> : vector<64x64xf32>
    %dot_general3A_85 = tpu.matmul %convert_element_type3A_61, %div3A_42, %dot_general3A_84 {dimension_numbers = #tpu.dot_dimension_numbers<[1], [1], [0], [0], [0, 0, 1, 0], [], []>, precision = #tpu.contract_precision<fp32>, transpose_lhs_hint = false} : vector<64x1024xf32>, vector<64x1024xf32>, vector<64x64xf32> -> vector<64x64xf32>
    %mul3A_86 = arith.mulf %dot_general3A_85, %dot_general3A_85 : vector<64x64xf32>
    %reduce_sum3A_87 = arith.constant dense<0.000000e+00> : vector<64xf32>
    %reduce_sum3A_88 = vector.multi_reduction <add>, %mul3A_86, %reduce_sum3A_87 [1] : vector<64x64xf32> to vector<64xf32>
    %broadcast_in_dim3A_89 = vector.shape_cast %reduce_sum3A_88 : vector<64xf32> to vector<64x1xf32>
    %sqrt3A = math.sqrt %broadcast_in_dim3A_89 : vector<64x1xf32>
    %div3A_90 = vector.broadcast %sqrt3A : vector<64x1xf32> to vector<64x64xf32>
    %div3A_91 = arith.divf %dot_general3A_85, %div3A_90 : vector<64x64xf32>
    %get3A_92 = arith.constant 0 : index
    %get3A_93 = arith.constant 0 : index
    %get3A_94 = vector.load %arg2[%get3A_92, %get3A_93] : memref<64x64xf32, #tpu.memory_space<vmem>>, vector<64x64xf32>
    %mul3A_95 = arith.mulf %get3A_94, %get3A_94 : vector<64x64xf32>
    %reduce_sum3A_96 = arith.constant dense<0.000000e+00> : vector<64xf32>
    %reduce_sum3A_97 = vector.multi_reduction <add>, %mul3A_95, %reduce_sum3A_96 [1] : vector<64x64xf32> to vector<64xf32>
    %broadcast_in_dim3A_98 = vector.shape_cast %reduce_sum3A_97 : vector<64xf32> to vector<64x1xf32>
    %sqrt3A_99 = math.sqrt %broadcast_in_dim3A_98 : vector<64x1xf32>
    %div3A_100 = vector.broadcast %sqrt3A_99 : vector<64x1xf32> to vector<64x64xf32>
    %div3A_101 = arith.divf %get3A_94, %div3A_100 : vector<64x64xf32>
    %mul3A_102 = arith.mulf %div3A_91, %div3A_101 : vector<64x64xf32>
    %reduce_sum3A_103 = vector.shape_cast %mul3A_102 : vector<64x64xf32> to vector<1x64x64xf32>
    %reduce_sum3A_104 = arith.constant dense<0.000000e+00> : vector<1xf32>
    %reduce_sum3A_105 = vector.multi_reduction <add>, %reduce_sum3A_103, %reduce_sum3A_104 [1, 2] : vector<1x64x64xf32> to vector<1xf32>
    %reduce_sum3A_106 = vector.shape_cast %reduce_sum3A_105 : vector<1xf32> to vector<1x1x1xf32>
    %reduce_sum3A_107 = vector.extract %reduce_sum3A_106[0, 0, 0] : f32 from vector<1x1x1xf32>
    %neg3A_108 = arith.constant 0.000000e+00 : f32
    %neg3A_109 = arith.subf %neg3A_108, %reduce_sum3A_107 : f32
    %div3A_110 = arith.constant 6.400000e+01 : f32
    %div3A_111 = arith.divf %neg3A_109, %div3A_110 : f32
    %get3A_112 = arith.constant 0 : index
    %get3A_113 = arith.constant 0 : index
    %get3A_114 = vector.load %arg1[%get3A_112, %get3A_113] : memref<64x64xf32, #tpu.memory_space<vmem>>, vector<64x64xf32>
    %mul3A_115 = arith.mulf %get3A_114, %get3A_114 : vector<64x64xf32>
    %reduce_sum3A_116 = arith.constant dense<0.000000e+00> : vector<64xf32>
    %reduce_sum3A_117 = vector.multi_reduction <add>, %mul3A_115, %reduce_sum3A_116 [1] : vector<64x64xf32> to vector<64xf32>
    %broadcast_in_dim3A_118 = vector.shape_cast %reduce_sum3A_117 : vector<64xf32> to vector<64x1xf32>
    %sqrt3A_119 = math.sqrt %broadcast_in_dim3A_118 : vector<64x1xf32>
    %div3A_120 = vector.broadcast %sqrt3A_119 : vector<64x1xf32> to vector<64x64xf32>
    %div3A_121 = arith.divf %get3A_114, %div3A_120 : vector<64x64xf32>
    %mul3A_122 = arith.mulf %div3A_121, %div3A_101 : vector<64x64xf32>
    %reduce_sum3A_123 = vector.shape_cast %mul3A_122 : vector<64x64xf32> to vector<1x64x64xf32>
    %reduce_sum3A_124 = arith.constant dense<0.000000e+00> : vector<1xf32>
    %reduce_sum3A_125 = vector.multi_reduction <add>, %reduce_sum3A_123, %reduce_sum3A_124 [1, 2] : vector<1x64x64xf32> to vector<1xf32>
    %reduce_sum3A_126 = vector.shape_cast %reduce_sum3A_125 : vector<1xf32> to vector<1x1x1xf32>
    %reduce_sum3A_127 = vector.extract %reduce_sum3A_126[0, 0, 0] : f32 from vector<1x1x1xf32>
    %neg3A_128 = arith.constant 0.000000e+00 : f32
    %neg3A_129 = arith.subf %neg3A_128, %reduce_sum3A_127 : f32
    %div3A_130 = arith.constant 6.400000e+01 : f32
    %div3A_131 = arith.divf %neg3A_129, %div3A_130 : f32
    %add3A_132 = arith.addf %div3A_83, %div3A_111 : f32
    %add3A_133 = arith.addf %add3A_132, %div3A_131 : f32
    %iota3A_134 = tpu.iota {dimensions = array<i32: 1>} : vector<1x128xi32>
    %eq3A_135 = arith.constant 0 : i32
    %eq3A_136 = vector.broadcast %eq3A_135 : i32 to vector<1x128xi32>
    %eq3A_137 = arith.cmpi eq, %iota3A_134, %eq3A_136 : vector<1x128xi32>
    %jit3A = arith.constant 0.000000e+00 : f32
    %broadcast_in_dim3A_138 = vector.broadcast %div3A_83 : f32 to vector<1x128xf32>
    %broadcast_in_dim3A_139 = vector.broadcast %jit3A : f32 to vector<1x128xf32>
    %select_n3A = arith.select %eq3A_137, %broadcast_in_dim3A_138, %broadcast_in_dim3A_139 : vector<1x128xi1>, vector<1x128xf32>
    %eq3A_140 = arith.constant 1 : i32
    %eq3A_141 = vector.broadcast %eq3A_140 : i32 to vector<1x128xi32>
    %eq3A_142 = arith.cmpi eq, %iota3A_134, %eq3A_141 : vector<1x128xi32>
    %jit3A_143 = arith.constant 0.000000e+00 : f32
    %broadcast_in_dim3A_144 = vector.broadcast %add3A_133 : f32 to vector<1x128xf32>
    %broadcast_in_dim3A_145 = vector.broadcast %jit3A_143 : f32 to vector<1x128xf32>
    %select_n3A_146 = arith.select %eq3A_142, %broadcast_in_dim3A_144, %broadcast_in_dim3A_145 : vector<1x128xi1>, vector<1x128xf32>
    %add3A_147 = arith.addf %select_n3A, %select_n3A_146 : vector<1x128xf32>
    %swap3A = arith.constant 0 : index
    %swap3A_148 = arith.constant 0 : index
    %swap3A_149 = vector.load %arg4[%swap3A, %swap3A_148] : memref<1x128xf32, #tpu.memory_space<vmem>>, vector<1x128xf32>
    tpu.vector_store %arg4[%swap3A, %swap3A_148], %add3A_147 {strides = array<i32>} : memref<1x128xf32, #tpu.memory_space<vmem>>, vector<1x128xf32>,
    return
  }
}

</mosaic_0001>

<sc_bundles>
// kernel: kernel.4.cloned.1.call-start
scs
__scs_entry_jumppad:
0x0: {  	(pc) =	sbr.rel $0x88, $3  }
0x1: {  	(tag) =	ssettag $0x0;
	lr =	simm.s32 $0x1  }
0x2: {  	[smem:$0x3F9B] =	sst lr;
	_ =	strace $0xD0000000  }
0x3: {  	_ = 	snop  }
0x4: {  	_ = 	snop  }
0x5: {  	_ = 	snop  }
0x6: {  	_ = 	snop  }
0x7: {  	_ = 	snop  }
__scs_overlays_trampoline_lowered:
0x8: {  	[smem:$0x3FAA] =	sst s0  }
0x9: {  	[smem:$0x3FAB] =	sst s1  }
0xa: {  	[smem:$0x3FAC] =	sst s2  }
0xb: {  	[smem:$0x3FAD] =	sst s3  }
0xc: {  	[smem:$0x3FAE] =	sst s4  }
0xd: {  	[smem:$0x3FAF] =	sst s5  }
0xe: {  	[smem:$0x3FB0] =	sst s6  }
0xf: {  	[smem:$0x3FB1] =	sst s7  }
0x10: {  	[smem:$0x3FB2] =	sst s8  }
0x11: {  	[smem:$0x3FB3] =	sst s9;
	s0 =	simm.s32 @!p0 $0x0  }
0x12: {  	s1 =	sld [smem:$0x3F99];
	s0 =	simm.s32 @p0 $0x1  }
0x13: {  	[smem:$0x3FB4] =	sst s0;
	s0 =	simm.s32 @!p1 $0x0  }
0x14: {  	s2 =	sld [smem:$0x3F98];
	s0 =	simm.s32 @p1 $0x1  }
0x15: {  	[smem:$0x3FB5] =	sst s0;
	s0 =	simm.s32 @!p2 $0x0  }
0x16: {  	s3 =	sld [smem:$0x3FDB];
	s0 =	simm.s32 @p2 $0x1  }
0x17: {  	s4 =	simm.s32 $0x1BF5;
	[smem:$0x3FB7] =	sst s0  }
0x18: {  	s0 =	sld [smem:$0x3F9A];
	_ =	swait.ge [sflag:s4], $0x0  }
0x19: {  	s7 =	sld [smem:$0x3F9B]  }
0x1a: {  	s8 =	sadd.s32 $0xFFFFE003, lr  }
0x1b: {  	s9 =	sadd.s32 $0xFFFFFEF7, lr;
	s5 =	simm.s32 $0xFFFFFFFF;
	p2 =	slt.u32 s8, $0xFFFFF086  }
0x1c: {  	p1 =	slt.u32 s9, $0xF7A;
	s5 =	simm.s32 @!p2 $0x0  }
0x1d: {  	s5 =	simm.s32 @p1 $0x1;
	p0 =	seq.s32 s7, s2  }
0x1e: {  	s7 =	smul.u32 @!p0 $0xF7A, s2;
	p2 =	seq.s32 @!p0 s5, $0x0  }
0x1f: {  	s9 =	smul.u32 $0xF7A, s1;
	s8 =	simm.s32 @!p0 $0x1BF5;
	p2 =	por !p2, p0  }
0x20: {  	[sflag:s8] =	ssyncset.s32 @!p0 $0xFFFFF086;
	s6 =	sadd.s32 @!p0 s3, s7;
	s7 =	simm.s32 @!p0 $0x108  }
0x21: {  	s3 =	sadd.s32 s3, s9;
	s6 =	sadd.s32 @!p0 $0x88, s6;
	s7 =	simm.s32 @p2 $0x1082  }
0x22: {  	[simem:s7], [sflag:s8] =	dma.local @!p0 [hbm:s6], $0xF7A  }
0x23: {  	s9 =	sor.u32 $0xD0000000, s2;
	s6 =	simm.s32 $0x108;
	_ =	swait.ge @!p0 [sflag:s8], $0x0  }
0x24: {  	s3 =	sadd.s32 $0x88, s3;
	s6 =	simm.s32 @!p1 $0x1082;
	[sflag:s4] =	ssyncset.s32 $0xFFFFF086  }
0x25: {  	[simem:s6], [sflag:s4] =	dma.local [hbm:s3], $0xF7A  }
0x26: {  	[smem:$0x3F9B] =	sst s1;
	(tag) =	ssettag s2;
	_ =	strace s9  }
0x27: {  	s1 =	sld [smem:$0x3FAB]  }
0x28: {  	s2 =	sld [smem:$0x3FAC]  }
0x29: {  	s4 =	sld [smem:$0x3FAE]  }
0x2a: {  	p0 =	seq.s32 s5, $0x0;
	s5 =	sld [smem:$0x3FAF]  }
0x2b: {  	s6 =	sld [smem:$0x3FB0]  }
0x2c: {  	s7 =	sld [smem:$0x3FB1]  }
0x2d: {  	s3 =	simm.s32 $0x108;
	s8 =	sld [smem:$0x3FB2]  }
0x2e: {  	s3 =	simm.s32 @!p0 $0x1082;
	s9 =	sld [smem:$0x3FB3]  }
0x2f: {  	lr =	sadd.s32 s0, s3;
	s0 =	sld [smem:$0x3FAA]  }
0x30: {  	s3 =	sld [smem:$0x3FAD]  }
0x31: {  	[smem:$0x3FB6] =	sst s10  }
0x32: {  	s10 =	sld [smem:$0x3FB4];
	_ =	sdelay $0x3  }
0x33: {  	p0 =	seq.s32 s10, $0x1;
	s10 =	sld [smem:$0x3FB6];
	_ =	sdelay $0x3  }
0x34: {  	[smem:$0x3FB6] =	sst s10  }
0x35: {  	s10 =	sld [smem:$0x3FB5];
	_ =	sdelay $0x3  }
0x36: {  	p1 =	seq.s32 s10, $0x1;
	s10 =	sld [smem:$0x3FB6];
	_ =	sdelay $0x3  }
0x37: {  	[smem:$0x3FB6] =	sst s10  }
0x38: {  	s10 =	sld [smem:$0x3FB7]  }
0x39: {  	_ = 	snop;
	(pc) =	sbr.ind lr, $3  }
0x3a: {  	_ = 	snop  }
0x3b: {  	_ = 	snop  }
0x3c: {  	p2 =	seq.s32 s10, $0x1;
	s10 =	sld [smem:$0x3FB6]  }
0x3d: {  	_ =	shalt  }
0x3e: {  	_ =	shalt  }
0x3f: {  	_ =	shalt  }
0x40: {  	_ =	shalt  }
0x41: {  	_ =	shalt  }
0x42: {  	_ =	shalt  }
0x43: {  	_ =	shalt  }
0x44: {  	_ =	shalt  }
0x45: {  	_ =	shalt  }
0x46: {  	_ =	shalt  }
0x47: {  	_ =	shalt  }
0x48: {  	_ =	shalt  }
0x49: {  	_ =	shalt  }
0x4a: {  	_ =	shalt  }
0x4b: {  	_ =	shalt  }
0x4c: {  	_ =	shalt  }
0x4d: {  	_ =	shalt  }
0x4e: {  	_ =	shalt  }
0x4f: {  	_ =	shalt  }
0x50: {  	_ =	shalt  }
0x51: {  	_ =	shalt  }
0x52: {  	_ =	shalt  }
0x53: {  	_ =	shalt  }
0x54: {  	_ =	shalt  }
0x55: {  	_ =	shalt  }
0x56: {  	_ =	shalt  }
0x57: {  	_ =	shalt  }
0x58: {  	_ =	shalt  }
0x59: {  	_ =	shalt  }
0x5a: {  	_ =	shalt  }
0x5b: {  	_ =	shalt  }
0x5c: {  	_ =	shalt  }
0x5d: {  	_ =	shalt  }
0x5e: {  	_ =	shalt  }
0x5f: {  	_ =	shalt  }
0x60: {  	_ =	shalt  }
0x61: {  	_ =	shalt  }
0x62: {  	_ =	shalt  }
0x63: {  	_ =	shalt  }
0x64: {  	_ =	shalt  }
0x65: {  	_ =	shalt  }
0x66: {  	_ =	shalt  }
0x67: {  	_ =	shalt  }
0x68: {  	_ =	shalt  }
0x69: {  	_ =	shalt  }
0x6a: {  	_ =	shalt  }
0x6b: {  	_ =	shalt  }
0x6c: {  	_ =	shalt  }
0x6d: {  	_ =	shalt  }
0x6e: {  	_ =	shalt  }
0x6f: {  	_ =	shalt  }
0x70: {  	_ =	shalt  }
0x71: {  	_ =	shalt  }
0x72: {  	_ =	shalt  }
0x73: {  	_ =	shalt  }
0x74: {  	_ =	shalt  }
0x75: {  	_ =	shalt  }
0x76: {  	_ =	shalt  }
0x77: {  	_ =	shalt  }
0x78: {  	_ =	shalt  }
0x79: {  	_ =	shalt  }
0x7a: {  	_ =	shalt  }
0x7b: {  	_ =	shalt  }
0x7c: {  	_ =	shalt  }
0x7d: {  	_ =	shalt  }
0x7e: {  	_ =	shalt  }
0x7f: {  	_ =	shalt  }
0x80: {  	_ =	shalt  }
0x81: {  	_ =	shalt  }
0x82: {  	_ =	shalt  }
0x83: {  	_ =	shalt  }
0x84: {  	_ =	shalt  }
0x85: {  	_ =	shalt  }
0x86: {  	_ =	shalt  }
0x87: {  	_ =	shalt  }
.Lfunc_end0:
.L_simem_size_0:
called_computation_lowered:
.L_overlay_start_0:
0x88: {  	s2 =	sld [smem:$0x3FD9]  }
0x89: {  	s3 =	sld [smem:$0x3FFE];
	_ =	sdelay $0x1  }
0x8a: {  	s1 =	srdreg.scid  }
0x8b: {  	s0 =	sand.u32 $0x1, s1  }
0x8c: {  	s17 =	sshll.u32 s0, $0xA;
	s2 =	sadd.s32 s3, s2  }
0x8d: {  	s2 =	sadd.s32 s2, s17  }
0x8e: {  	[smem:$0x3FC2] =	sst s2  }
0x8f: {  	_ = 	snop  }
0x90: {  	s2 =	sld [smem:$0x3FC7]  }
0x91: {  	s18 =	sld [smem:$0x3FC5]  }
0x92: {  	s4 =	sld [smem:$0x3FC4]  }
0x93: {  	s5 =	sld [smem:$0x3FD0];
	(tm) =	ssettm $0x1  }
0x94: {  	s6 =	sld [smem:$0x3FFB];
	_ =	sdelay $0x3  }
0x95: {  	_ =	strace s6  }
0x96: {  	s6 =	sld [smem:$0x3FFC];
	_ =	sdelay $0x3  }
0x97: {  	_ =	strace s6  }
0x98: {  	s6 =	sld [smem:$0x3FFD];
	_ =	sdelay $0x3  }
0x99: {  	_ =	strace s6  }
0x9a: {  	_ =	strace $0x8FFFFFFF  }
0x9b: {  	s19 =	sld [smem:$0x3FDB];
	_ =	sdelay $0x1  }
0x9c: {  	s7 =	simm.s32 $_scs_section_size  }
0x9d: {  	s8 =	simm.s32 $_size__tile_overlayer_lowered;
	s9 =	simm.s32 $_tile_overlayer_lowered  }
0x9e: {  	s22 =	simm.s32 $0x1BFF;
	s21 =	sshll.u32 s9, $0x1;
	s6 =	sadd.s32 s7, s19  }
0x9f: {  	s10 =	simm.s32 $0x0;
	s20 =	sshll.u32 s8, $0x1;
	s8 =	sadd.s32 s21, s6  }
0xa0: {  	[timem:s10], [sflag:s22] =	dma.local [hbm:s8], s20  }
0xa1: {  	_ =	swait.ge [sflag:s22], s20  }
0xa2: {  	s7 =	ssub.s32 $0x0, s20;
	[sflag:s22] =	ssyncset.done $0x0  }
0xa3: {  	[sflag:s22] =	ssyncadd.s32 s7;
	_ =	sdelay $0x1  }
0xa4: {  	s23 =	simm.s32 $0x1B8B  }
0xa5: {  	_ =	swait.ge [sflag:s23], $0x1  }
0xa6: {  	[sflag:s23] =	ssyncset.done $0x0  }
0xa7: {  	s25 =	simm.s32 $0x1B8E;
	s24 =	sld [smem:$0x3FFE];
	[sflag:s23] =	ssyncadd.s32 $0xFFFFFFFF  }
0xa8: {  	s26 =	simm.s32 $execute0_lowered;
	[smem:$0x3FD2] =	sst s25  }
0xa9: {  	s8 =	sshll.u32 s26, $0x1;
	_ =	strace $0x80000046;
	[dreg:$0x1] =	wrdreg $0xFFFFFFFF  }
0xaa: {  	s28 =	simm.s32 $_size_execute0_lowered;
	s6 =	sadd.s32 s6, s8;
	[dreg:$0x0] =	wrdreg $0x0  }
0xab: {  	s8 =	sshll.u32 s28, $0x1;
	[dreg:$0x2] =	wrdreg s6  }
0xac: {  	[dreg:$0x3] =	wrdreg s8  }
0xad: {  	[dreg:$0x4] =	wrdreg $0xC0  }
0xae: {  	_ =	task [dreg:s10], $0x5FFFF  }
0xaf: {  	[dreg:$0x1] =	wrdreg $0xFFFFFFFF  }
0xb0: {  	[dreg:$0x0] =	wrdreg $0x60  }
0xb1: {  	[dreg:$0x2] =	wrdreg s18  }
0xb2: {  	[dreg:$0x3] =	wrdreg s24  }
0xb3: {  	[dreg:$0x4] =	wrdreg s4  }
0xb4: {  	[dreg:$0x5] =	wrdreg s2  }
0xb5: {  	[dreg:$0x6] =	wrdreg s5  }
0xb6: {  	[dreg:$0x7] =	wrdreg $0x9  }
0xb7: {  	_ =	task.clear_ibuf [dreg:s10], $0x8FFFF;
	_ =	strace $0x90000046  }
0xb8: {  	s29 =	simm.s32 $0x9;
	_ =	strace $0x80000048  }
0xb9: {  	_ =	swait.ge [sflag:s29], $0x1  }
0xba: {  	[sflag:s29] =	ssyncadd.s32 $0xFFFFFFFF  }
0xbb: {  	_ =	strace $0x90000048  }
0xbc: {  	_ =	sfence  }
0xbd: {  	s30 =	sld [smem:$0x0];
	_ =	sdelay $0x2  }
0xbe: {  	s31 =	sshll.u32 s1, $0xD;
	s1 =	sshrl.u32 s1, $0x2  }
0xbf: {  	s3 =	sand.u32 $0x4000, s31;
	s1 =	sadd.s32 s1, s30  }
0xc0: {  	s0 =	sor.u32 s3, s0;
	s1 =	sshll.u32 s1, $0x11  }
0xc1: {  	s0 =	sor.u32 s1, s0  }
0xc2: {  	s0 =	sadd.s32 $0x8F2B, s0  }
0xc3: {  	[sflag:s0] =	ssyncadd.remote.s32 $0x1  }
0xc4: {  	_ =	sfence.sel $0xFFFF  }
0xc5: {  	[dreg:$0x0] =	wrdreg $0xFFFFFFFF;
	(pc) =	sbr.abs _section_cstart, $3  }
0xc6: {  	[dreg:$0x1] =	wrdreg $0xFFFFFFFF  }
0xc7: {  	_ =	task.clear_ibuf [dreg:s10], $0x2FFFF;
	_ =	strace $0x9FFFFFFF  }
0xc8: {  	(tm) =	ssettm $0x7FFFFFFF  }
0xc9: {  	_ =	shalt  }
tec
execute0_lowered:
.L_overlay_start_1:
0x0: {  	(tag) =	ssettag $0x1  }
0x1: {  	s2 =	rddreg [dreg:$0x0]  }
0x2: {  	s0 =	srdreg.scid;
	s3 =	rddreg [dreg:$0x1]  }
0x3: {  	s12 =	stileid.u32;
	s22 =	rddreg [dreg:$0x2];
	s6 =	simm.s32 $0x1  }
0x4: {  	s5 =	simm.s32 $0x0;
	s28 =	simm.s32 $0x2;
	s29 =	simm.s32 $0x3  }
0x5: {  	s31 =	simm.s32 $0x5;
	s1 =	sand.u32 $0x1, s0;
	[smem:$0x7FF] =	sst s5  }
0x6: {  	s21 =	sshll.u32 s12, $0xB;
	s0 =	sshll.u32 s1, $0x4;
	_ =	strace $0x80000047  }
0x7: {  	s8 =	ssub.s32 $0x2, s1;
	s1 =	sor.u32 s12, s1;
	s4 =	sor.u32 s12, s0  }
0x8: {  	s0 =	sand.u32 $0x3, s12;
	s15 =	sshrl.u32 s8, $0x1;
	s12 =	sadd.s32 $0x30D0, s22  }
0x9: {  	p0 =	seq.s32 s4, $0x0;
	p1 =	sne.s32 s0, $0x0;
	s7 =	sshrl.u32 s4, $0x2  }
0xa: {  	s18 =	ssub.s32 s8, s15;
	s16 =	sshll.u32 s0, $0x8;
	s17 =	sshll.u32 s0, $0xE  }
0xb: {  	s9 =	sshll.u32 s0, $0x4;
	s10 =	smul.u32 $0xC3, s4;
	s4 =	smin.u32 s4, $0xA  }
0xc: {  	s15 =	sshll.u32 s0, $0x11;
	p0 =	por !p1, !p0;
	s9 =	sor.u32 $0x40, s9  }
0xd: {  	s18 =	smax.u32 s18, $0x1;
	p1 =	seq.s32 s0, $0x0;
	p0 =	por !p0, !p0  }
0xe: {  	s11 =	sshll.u32 s9, $0xA;
	s4 =	sadd.s32 s4, s10;
	s9 =	sshll.u32 s9, $0x4  }
0xf: {  	p2 =	sne.s32 @!p1 s0, $0x3;
	s6 =	simm.s32 @!p0 $0x0;
	s4 =	smin.u32 s4, $0x17A6  }
0x10: {  	s9 =	sadd.s32 s22, s9;
	p0 =	sne.s32 s1, $0x0;
	s14 =	ssub.s32 s7, s6  }
0x11: {  	p2 =	por p2, p1;
	s6 =	simm.s32 $0x1;
	s7 =	sshll.u32 s14, $0x7  }
0x12: {  	s4 =	sshll.u32 s4, $0x1;
	s19 =	smul.u32 $0xC3800, s14;
	s7 =	sand.u32 $0x1FFFFF80, s7  }
0x13: {  	s13 =	sadd.s32 s7, s3;
	s3 =	sadd.s32 $0x1400, s3;
	s7 =	sadd.s32 s22, s16  }
0x14: {  	s8 =	sadd.s32 s17, s19;
	s11 =	sadd.s32 s11, s19;
	s16 =	sshll.u32 s14, $0xD  }
0x15: {  	s14 =	sadd.s32 $0x3000, s22;
	s17 =	sadd.s32 $0xC0000, s19;
	s30 =	sshrl.u32 s19, $0x3  }
0x16: {  	s8 =	sshrl.u32 s8, $0x3;
	s20 =	sshrl.u32 s11, $0x3;
	s11 =	sadd.s32 s22, s4  }
0x17: {  	s4 =	sor.u32 $0x6000, s21;
	s13 =	sadd.s32 $0x1000, s13;
	s15 =	sadd.s32 s15, s16  }
0x18: {  	s23 =	sshrl.u32 s17, $0x3;
	s8 =	sadd.s32 s2, s8;
	s10 =	sadd.s32 s2, s20  }
0x19: {  	s20 =	sshll.u32 s0, $0xB;
	s24 =	sshrl.u32 s15, $0x3;
	s21 =	sadd.s32 $0x10000, s15  }
0x1a: {  	s15 =	sadd.s32 s2, s23;
	s26 =	sshrl.u32 s4, $0x3;
	s2 =	sadd.s32 s30, s2  }
0x1b: {  	s23 =	simm.s32 $0x800;
	s0 =	simm.s32 $0x0;
	s16 =	sadd.s32 s3, s24  }
0x1c: {  	s25 =	sshrl.u32 s21, $0x3;
	s19 =	sadd.s32 s26, s22;
	s26 =	sadd.s32 s4, s2  }
0x1d: {  	s21 =	sadd.s32 $0x800, s7;
	s2 =	sadd.s32 s20, s2;
	s24 =	simm.s32 $0x4800  }
0x1e: {  	v0 =	vimm.f32 $0.0e+00;
	s17 =	sadd.s32 s3, s25;
	s22 =	sadd.s32 $0x4000, s2;
	s25 =	simm.s32 $0x5000  }
.LBB2_1:
0x1f: {  	[tilespmem:s5], [sflag:$0x1] =	stream.linear.gather [hbm4b:s7+s5], $0x800, $0x38;
	[tilespmem:$0xE200] =	vst v63  }
0x20: {  	_ = 	snop  }
0x21: {  	[tilespmem:s23], [sflag:$0x1] =	stream.linear.gather [hbm4b:s8+s5], $0x4000, $0x38;
	[tilespmem:$0xE200] =	vst v63  }
0x22: {  	_ = 	snop  }
0x23: {  	[tilespmem:s24], [sflag:$0x2] =	stream.linear.gather [hbm4b:s9+s5], $0x800, $0x38;
	[tilespmem:$0xE200] =	vst v63  }
0x24: {  	_ = 	snop  }
0x25: {  	[tilespmem:s25], [sflag:$0x2] =	stream.linear.gather [hbm4b:s10+s5], $0x4000, $0x38;
	[tilespmem:$0xE200] =	vst v63  }
0x26: {  	s1 =	simm.s32 $0x9000;
	s3 =	simm.s32 @!p0 $0xDC80  }
0x27: {  	[tilespmem:s1], [sflag:$0x3] =	stream.linear.gather [hbm4b:s11+s5], $0xC40, $0x38;
	[tilespmem:$0xE200] =	vst v63  }
0x28: {  	s2 =	rddreg [dreg:$0x3];
	s4 =	simm.s32 @!p0 $0x5;
	s1 =	simm.s32 @!p0 $0x0  }
0x29: {  	[tilespmem:s3], [sflag:$0x5] =	stream.linear.gather @!p0 [hbm4b:s2+s1], $0x80, $0x38;
	[tilespmem:$0xE200] =	vst v63  }
0x2a: {  	_ =	swait.ge @!p0 [sflag:s4], $0x80  }
0x2b: {  	[sflag:s4] =	ssyncset.done @!p0 $0x0  }
0x2c: {  	[sflag:s4] =	ssyncadd.s32 @!p0 $0xFFFFFF80  }
0x2d: {  	s20 =	simm.s32 @!p0 $0x40;
	s30 =	simm.s32 @!p0 $0xDD00;
	s2 =	rddreg [dreg:$0x2]  }
0x2e: {  	[tilespmem:s30], [sflag:$0x4] =	stream.indirect.gather @!p0 [hbm4b:s2+s20], $0x1, s3, s20, $0xb8;
	[tilespmem:$0xE200] =	vst v63  }
0x2f: {  	s3 =	simm.s32 @!p0 $0x4  }
0x30: {  	_ =	swait.ge @!p0 [sflag:s3], $0x40  }
0x31: {  	[sflag:s3] =	ssyncset.done @!p0 $0x0  }
0x32: {  	[sflag:s3] =	ssyncadd.s32 @!p0 $0xFFFFFFC0  }
0x33: {  	s2 =	rddreg [dreg:$0x4]  }
0x34: {  	[hbm4b:s2+s1] =	stream.linear.scatter @!p0 [tilespmem:s30], [sflag:$0x5], $0x80, $0x38;
	[tilespmem:$0xE200] =	vst v63  }
0x35: {  	_ =	swait.ge @!p0 [sflag:s4], $0x80  }
0x36: {  	s20 =	sand.u32 $0x70, s5;
	s30 =	sand.u32 $0x1C00, s5;
	[sflag:s4] =	ssyncset.done @!p0 $0x0  }
0x37: {  	s1 =	sor.u32 s20, s30;
	[sflag:s4] =	ssyncadd.s32 @!p0 $0xFFFFFF80  }
0x38: {  	[tilespmem:s1+$0x9D00] =	vst v0  }
0x39: {  	[tilespmem:s1+$0x9D80] =	vst v0  }
0x3a: {  	[tilespmem:s1+$0x9E00] =	vst v0  }
0x3b: {  	[tilespmem:s1+$0x9E80] =	vst v0  }
0x3c: {  	[tilespmem:s1+$0x9F00] =	vst v0  }
0x3d: {  	s3 =	simm.s32 $0x10;
	s20 =	sor.u32 s5, s5;
	s4 =	simm.s32 $0x0;
	[tilespmem:s1+$0x9F80] =	vst v0  }
.LBB2_2:
0x3e: {  	p3 =	sne.s32 s3, $0x3F0;
	[tilespmem:s1+$0x9C80] =	vst v0;
	s20 =	sor.u32 $0x380, s20;
	s4 =	sadd.s32 $0x80, s4  }
0x3f: {  	s30 =	sand.u32 $0x70, s3;
	s2 =	sand.u32 $0x1C00, s4;
	[tilespmem:s20+$0x9C80] =	vst v0  }
0x40: {  	[tilespmem:s1+$0xBC80] =	vst v0;
	s1 =	sor.u32 s30, s2  }
0x41: {  	[tilespmem:s1+$0x9D00] =	vst v0  }
.Ltmp0:
0x42: {  	[tilespmem:s1+$0x9D80] =	vst v0;
	(pc) =	sbr.rel @p3 .LBB2_2-.Ltmp0, $4  }
0x43: {  	[tilespmem:s1+$0x9E00] =	vst v0  }
0x44: {  	[tilespmem:s1+$0x9E80] =	vst v0  }
0x45: {  	[tilespmem:s1+$0x9F00] =	vst v0  }
0x46: {  	s20 =	sor.u32 s4, s3;
	s3 =	sadd.s32 $0x10, s3;
	[tilespmem:s1+$0x9F80] =	vst v0  }
0x47: {  	[tilespmem:s1+$0x9C80] =	vst v0;
	s2 =	sor.u32 $0x380, s20  }
0x48: {  	[tilespmem:s2+$0x9C80] =	vst v0  }
0x49: {  	[tilespmem:s1+$0xBC80] =	vst v0  }
0x4a: {  	_ =	swait.ge [sflag:s6], $0x800  }
0x4b: {  	[sflag:s6] =	ssyncset.done $0x0  }
0x4c: {  	[sflag:s6] =	ssyncadd.s32 $0xFFFFF800  }
0x4d: {  	_ =	swait.ge [sflag:s6], $0x4000  }
0x4e: {  	[sflag:s6] =	ssyncset.done $0x0  }
0x4f: {  	s20 =	sadd.s32 $0x0, s21;
	[sflag:s6] =	ssyncadd.s32 $0xFFFFC000  }
0x50: {  	[tilespmem:s5], [sflag:$0x1] =	stream.linear.gather [hbm4b:s20+s5], $0x800, $0x38;
	[tilespmem:$0xE200] =	vst v63  }
0x51: {  	_ = 	snop  }
0x52: {  	[tilespmem:s23], [sflag:$0x1] =	stream.linear.gather [hbm4b:s22+s5], $0x4000, $0x38;
	[tilespmem:$0xE200] =	vst v63  }
0x53: {  	_ =	swait.ge [sflag:s28], $0x800  }
0x54: {  	[sflag:s28] =	ssyncset.done $0x0  }
0x55: {  	[sflag:s28] =	ssyncadd.s32 $0xFFFFF800  }
0x56: {  	s30 =	sadd.s32 $0x0, s19;
	_ =	swait.ge [sflag:s28], $0x4000  }
0x57: {  	s3 =	simm.s32 $0x800;
	s4 =	sadd.s32 $0x4000, s26;
	[sflag:s28] =	ssyncset.done $0x0  }
0x58: {  	s1 =	sadd.s32 $0x4000, s22;
	s20 =	smov.u32 s26;
	[sflag:s28] =	ssyncadd.s32 $0xFFFFC000  }
0x59: {  	[tilespmem:s24], [sflag:$0x2] =	stream.linear.gather [hbm4b:s30+s5], $0x800, $0x38;
	[tilespmem:$0xE200] =	vst v63  }
.LBB2_4:
0x5a: {  	[tilespmem:s25], [sflag:$0x2] =	stream.linear.gather [hbm4b:s20+s5], $0x4000, $0x38;
	[tilespmem:$0xE200] =	vst v63  }
0x5b: {  	s2 =	smov.u32 s3;
	s20 =	smov.u32 s4  }
0x5c: {  	p3 =	sne.s32 s3, $0x2000;
	s3 =	sadd.s32 $0x800, s3;
	_ =	swait.ge [sflag:s6], $0x800  }
0x5d: {  	[sflag:s6] =	ssyncset.done $0x0  }
0x5e: {  	[sflag:s6] =	ssyncadd.s32 $0xFFFFF800  }
0x5f: {  	_ =	swait.ge [sflag:s6], $0x4000  }
0x60: {  	[sflag:s6] =	ssyncset.done $0x0  }
0x61: {  	s30 =	sadd.s32 s2, s21;
	[sflag:s6] =	ssyncadd.s32 $0xFFFFC000  }
0x62: {  	[tilespmem:s5], [sflag:$0x1] =	stream.linear.gather [hbm4b:s30+s5], $0x800, $0x38;
	[tilespmem:$0xE200] =	vst v63  }
0x63: {  	_ = 	snop  }
0x64: {  	[tilespmem:s23], [sflag:$0x1] =	stream.linear.gather [hbm4b:s1+s5], $0x4000, $0x38;
	[tilespmem:$0xE200] =	vst v63  }
0x65: {  	_ =	swait.ge [sflag:s28], $0x800  }
0x66: {  	[sflag:s28] =	ssyncset.done $0x0  }
0x67: {  	[sflag:s28] =	ssyncadd.s32 $0xFFFFF800  }
.Ltmp1:
0x68: {  	_ =	swait.ge [sflag:s28], $0x4000;
	(pc) =	sbr.rel @p3 .LBB2_4-.Ltmp1, $4  }
0x69: {  	[sflag:s28] =	ssyncset.done $0x0  }
0x6a: {  	s2 =	sadd.s32 s2, s19;
	[sflag:s28] =	ssyncadd.s32 $0xFFFFC000  }
0x6b: {  	[tilespmem:s24], [sflag:$0x2] =	stream.linear.gather [hbm4b:s2+s5], $0x800, $0x38;
	[tilespmem:$0xE200] =	vst v63  }
0x6c: {  	s4 =	sadd.s32 $0x4000, s4;
	s1 =	sadd.s32 $0x4000, s1  }
0x6d: {  	[tilespmem:s25], [sflag:$0x2] =	stream.linear.gather [hbm4b:s20+s5], $0x4000, $0x38;
	[tilespmem:$0xE200] =	vst v63  }
0x6e: {  	_ =	swait.ge [sflag:s6], $0x800  }
0x6f: {  	[sflag:s6] =	ssyncset.done $0x0  }
0x70: {  	[sflag:s6] =	ssyncadd.s32 $0xFFFFF800  }
0x71: {  	_ =	swait.ge [sflag:s6], $0x4000  }
0x72: {  	[sflag:s6] =	ssyncset.done $0x0  }
0x73: {  	[sflag:s6] =	ssyncadd.s32 $0xFFFFC000  }
0x74: {  	_ =	swait.ge [sflag:s28], $0x800  }
0x75: {  	[sflag:s28] =	ssyncset.done $0x0  }
0x76: {  	[sflag:s28] =	ssyncadd.s32 $0xFFFFF800  }
0x77: {  	_ =	swait.ge [sflag:s28], $0x4000  }
0x78: {  	[sflag:s28] =	ssyncset.done $0x0  }
0x79: {  	s1 =	simm.s32 @p1 $0x0;
	s2 =	simm.s32 @p1 $0xE180;
	[sflag:s28] =	ssyncadd.s32 $0xFFFFC000  }
0x7a: {  	[tilespmem:s2], [sflag:$0x5] =	stream.linear.gather @p1 [hbm4b:s12+s1], $0x20, $0x38;
	[tilespmem:$0xE200] =	vst v63  }
0x7b: {  	s2 =	simm.s32 @p1 $0x5  }
0x7c: {  	_ =	swait.ge @p1 [sflag:s2], $0x20  }
0x7d: {  	[sflag:s2] =	ssyncset.done @p1 $0x0  }
0x7e: {  	s3 =	simm.s32 @p1 $0xDD80;
	[sflag:s2] =	ssyncadd.s32 @p1 $0xFFFFFFE0  }
0x7f: {  	[tilespmem:s3], [sflag:$0x5] =	stream.linear.gather @p1 [hbm4b:s13+s1], $0x400, $0x38;
	[tilespmem:$0xE200] =	vst v63  }
0x80: {  	_ =	swait.ge @p1 [sflag:s2], $0x400  }
0x81: {  	[sflag:s2] =	ssyncset.done @p1 $0x0  }
0x82: {  	s1 =	simm.s32 @!p2 $0x0;
	[sflag:s2] =	ssyncadd.s32 @p1 $0xFFFFFC00  }
0x83: {  	[tilespmem:s1], [sflag:$0x1] =	stream.linear.gather @!p2 [hbm4b:s14+s1], $0x680, $0x38;
	[tilespmem:$0xE200] =	vst v63  }
0x84: {  	s2 =	simm.s32 @!p2 $0x800  }
0x85: {  	[tilespmem:s2], [sflag:$0x1] =	stream.linear.gather @!p2 [hbm4b:s15+s1], $0x3400, $0x38;
	[tilespmem:$0xE200] =	vst v63  }
0x86: {  	s1 =	simm.s32 @!p2 $0x1  }
0x87: {  	_ =	swait.ge @!p2 [sflag:s1], $0x680  }
0x88: {  	[sflag:s1] =	ssyncset.done @!p2 $0x0  }
0x89: {  	[sflag:s1] =	ssyncadd.s32 @!p2 $0xFFFFF980  }
0x8a: {  	_ =	swait.ge @!p2 [sflag:s1], $0x3400  }
0x8b: {  	[sflag:s1] =	ssyncset.done @!p2 $0x0  }
0x8c: {  	[sflag:s1] =	ssyncadd.s32 @!p2 $0xFFFFCC00  }
0x8d: {  	_ =	swait.ge [sflag:s29], $0xC40  }
0x8e: {  	[sflag:s29] =	ssyncset.done $0x0  }
0x8f: {  	s20 =	simm.s32 $0x9C80;
	[sflag:s29] =	ssyncadd.s32 $0xFFFFF3C0  }
0x90: {  	[hbm4b:s16+s5] =	stream.linear.scatter [tilespmem:s20], [sflag:$0x5], $0x2000, $0x38;
	[tilespmem:$0xE200] =	vst v63  }
0x91: {  	s0 =	sadd.s32 $0x1, s0;
	_ =	swait.ge [sflag:s31], $0x2000  }
0x92: {  	p3 =	sne.s32 s0, s18;
	[sflag:s31] =	ssyncset.done $0x0  }
.Ltmp2:
0x93: {  	s30 =	simm.s32 $0xBC80;
	[sflag:s31] =	ssyncadd.s32 $0xFFFFE000;
	(pc) =	sbr.rel @p3 .LBB2_1-.Ltmp2, $4  }
0x94: {  	[hbm4b:s17+s5] =	stream.linear.scatter [tilespmem:s30], [sflag:$0x5], $0x2000, $0x38;
	[tilespmem:$0xE200] =	vst v63  }
0x95: {  	_ =	swait.ge [sflag:s31], $0x2000  }
0x96: {  	[sflag:s31] =	ssyncset.done $0x0  }
0x97: {  	[sflag:s31] =	ssyncadd.s32 $0xFFFFE000  }
0x98: {  	_ =	sfence.sel $0x180000  }
0x99: {  	[bflag:$0x0] =	sbarrier.arrive $0xFFFF  }
0x9a: {  	_ =	strace $0x90000047  }
0x9b: {  	s0 =	stileid.u32;
	[bflag:$0x2] =	sbarrier.arrive $0xFFFF  }
0x9c: {  	p0 =	sne.s32 s0, $0x0;
	s0 =	rddreg [dreg:$0x5]  }
0x9d: {  	s0 =	sadd.s32 @!p0 $0x100000, s0  }
0x9e: {  	[sflag:s0] =	ssyncadd.tile.s32 @!p0 $0x1;
	_ =	shalt  }
.Lfunc_end2:
_tile_overlayer_lowered:
.L_overlay_start_2:
0x9f: {  	(tag) =	ssettag $0x2  }
0xa0: {  	s0 =	rddreg [dreg:$0x0];
	s2 =	stileid.u32  }
0xa1: {  	s1 =	rddreg [dreg:$0x1];
	p0 =	sne.s32 s2, $0x0  }
0xa2: {  	s3 =	rddreg [dreg:$0x2];
	[bflag:$0x3] =	sbarrier.arrive $0xFFFF;
	s2 =	simm.s32 @!p0 $0x1C05  }
0xa3: {  	[timem:s3], [sflag:s2] =	dma.local @!p0 [hbm:s0], s1  }
0xa4: {  	s0 =	simm.s32 @!p0 $0x5  }
0xa5: {  	_ =	swait.ge @!p0 [sflag:s0], s1  }
0xa6: {  	s1 =	ssub.s32 @!p0 $0x0, s1;
	[sflag:s0] =	ssyncset.done @!p0 $0x0  }
0xa7: {  	[sflag:s0] =	ssyncadd.s32 @!p0 s1  }
0xa8: {  	[bflag:$0x3] =	sbarrier.arrive $0xFFFF  }
0xa9: {  	_ =	shalt  }

</sc_bundles>
